<compile_context>
chip_gen: v7x
topology: tpu7x:2x2x1
jax: 0.10.2.dev20260603
libtpu: 0.0.44.dev20260713+nightly
codegen_flags: <defaults>
</compile_context>

<pallas_src>
import functools

import jax
import jax.numpy as jnp
from jax import lax
from jax.experimental import pallas as pl
from jax.experimental.pallas import tpu as pltpu
from jax.experimental.pallas import tpu_sc as plsc

MBITS = 8
SHIFT = 23 - MBITS
EXPLO = 107
NEXP = 36
NB = NEXP << MBITS
KEY_BIAS = EXPLO << MBITS
HIST = 2 * NB + 64
HBASE = 64
GROUP = 4
QTR = NB // GROUP
L = 16


def _build(n_per_sample, chunk, unroll):
    vpc = chunk // L
    nchunk = n_per_sample // (GROUP * chunk)
    mesh = plsc.VectorSubcoreMesh(core_axis_name="c", subcore_axis_name="s",
                                  num_cores=2, num_subcores=16)

    @functools.partial(
        pl.kernel,
        out_type=jax.ShapeDtypeStruct((32, L), jnp.float32),
        mesh=mesh,
        compiler_params=pltpu.CompilerParams(needs_layout_passes=False,
                                             use_tc_tiling_on_sc=True),
        scratch_types=[
            pltpu.VMEM((chunk // 512, 512), jnp.float32),
            pltpu.VMEM((chunk // 512, 512), jnp.float32),
            pltpu.VMEM((chunk // 512, 512), jnp.int32),
            pltpu.VMEM((chunk // 512, 512), jnp.int32),
            pltpu.SemaphoreType.DMA,
            pltpu.SemaphoreType.DMA,
            pltpu.VMEM((HIST,), jnp.int32),
            pltpu.VMEM((QTR,), jnp.int32),
            pltpu.VMEM((QTR,), jnp.int32),
            pltpu.VMEM((QTR,), jnp.int32),
            pltpu.VMEM((QTR,), jnp.int32),
            pltpu.VMEM((QTR,), jnp.int32),
            pltpu.VMEM((QTR,), jnp.int32),
            pltpu.VMEM((L,), jnp.float32),
            pltpu.VMEM((L,), jnp.int32),
            pltpu.VMEM((GROUP * L,), jnp.int32),
            pltpu.VMEM_SHARED((16 * HIST,), jnp.int32),
            pltpu.VMEM_SHARED((16 * L,), jnp.int32),
            pltpu.VMEM_SHARED((16 * L,), jnp.int32),
            pltpu.VMEM_SHARED((16 * L,), jnp.int32),
        ],
    )
    def sc_kernel(logits_hbm, targets_hbm, out_hbm, lbuf0, lbuf1, tbuf0,
                  tbuf1, sem0, sem1, hist, accq, accp, tmp0, tmp1, tmp2,
                  tmp3, iobuf, sbuf, sbuf4, sh_hist, sh_p, sh_q, sh_pp):
        lbufs, tbufs, sems = (lbuf0, lbuf1), (tbuf0, tbuf1), (sem0, sem1)
        tmps = (tmp0, tmp1, tmp2, tmp3)
        c = lax.axis_index("c")
        s = lax.axis_index("s")
        g = s // GROUP
        q = s % GROUP
        sample = c * GROUP + g
        ebase = sample * n_per_sample + q * (n_per_sample // GROUP)
        iota = lax.iota(jnp.int32, L)
        zero16 = jnp.zeros((L,), jnp.int32)
        ones = jnp.full((L,), 1, jnp.int32)

        def zbody(i):
            hist[pl.ds(i * L, L)] = zero16
        plsc.parallel_loop(0, HIST // L, 1, unroll=8)(zbody)

        rows = chunk // 512
        rbase0 = q * (n_per_sample // GROUP // 512)

        def issue(ck, b):
            r0 = rbase0 + ck * rows
            pltpu.async_copy(logits_hbm.at[sample, 0, pl.ds(r0, rows), :],
                             lbufs[b], sems[b])
            pltpu.async_copy(targets_hbm.at[sample, pl.ds(r0, rows), :],
                             tbufs[b], sems[b])

        def drain(ck, b):
            r0 = rbase0 + ck * rows
            pltpu.make_async_copy(logits_hbm.at[sample, 0, pl.ds(r0, rows), :],
                                  lbufs[b], sems[b]).wait()
            pltpu.make_async_copy(targets_hbm.at[sample, pl.ds(r0, rows), :],
                                  tbufs[b], sems[b]).wait()

        issue(0, 0)
        issue(1, 1)

        def pair_body(ci, _):
            for b in range(2):
                ck = ci * 2 + b
                drain(ck, b)
                lbuf, tbuf = lbufs[b], tbufs[b]

                def vec_body(vi):
                    base = vi * L
                    lv = lbuf[base // 512, pl.ds(base % 512, L)]
                    tv = tbuf[base // 512, pl.ds(base % 512, L)]
                    flipped = lax.bitcast_convert_type(
                        lax.bitcast_convert_type(lv, jnp.int32)
                        ^ (tv << 31), jnp.float32)
                    err = 1.0 + flipped
                    bits = lax.bitcast_convert_type(err, jnp.int32)
                    cls = tv * NB
                    raw = (bits >> SHIFT) - (KEY_BIAS - HBASE) + cls
                    k = jnp.minimum(jnp.maximum(raw, (tv << 4) + iota),
                                    cls + (HBASE + NB - 1))
                    plsc.addupdate_scatter(hist, [k], ones)
                plsc.parallel_loop(0, vpc, 1, unroll=unroll)(vec_body)

                @pl.when(ck + 2 < nchunk)
                def _():
                    issue(ck + 2, b)
            return 0

        lax.fori_loop(0, nchunk // 2, pair_body, 0)
        pacc = hist[pl.ds(L, L)]

        seg = HIST // 4
        for si in range(4):
            pltpu.async_copy(hist.at[pl.ds(si * seg, seg)],
                             sh_hist.at[pl.ds(s * HIST + si * seg, seg)],
                             sem1)
        sbuf[...] = pacc
        pltpu.async_copy(sbuf, sh_p.at[pl.ds(s * L, L)], sem1)
        for si in range(4):
            pltpu.make_async_copy(hist.at[pl.ds(si * seg, seg)],
                                  sh_hist.at[pl.ds(s * HIST + si * seg, seg)],
                                  sem1).wait()
        pltpu.make_async_copy(sbuf, sh_p.at[pl.ds(s * L, L)], sem1).wait()
        plsc.subcore_barrier()

        def combine(cls, dst):
            wbase = HBASE + cls * NB + q * QTR
            for j in range(GROUP):
                other = g * GROUP + j
                pltpu.async_copy(
                    sh_hist.at[pl.ds(other * HIST + wbase, QTR)],
                    tmps[j], sem0)
            for j in range(GROUP):
                other = g * GROUP + j
                pltpu.make_async_copy(
                    sh_hist.at[pl.ds(other * HIST + wbase, QTR)],
                    tmps[j], sem0).wait()

            def body(i, acc):
                d = pl.ds(i * L, L)
                v = ((tmps[0][d] + tmps[1][d])
                     + (tmps[2][d] + tmps[3][d]))
                dst[d] = v
                return acc + v
            return plsc.parallel_loop(
                0, QTR // L, 1, unroll=4, carry=zero16)(body)

        qsv = combine(0, accq)
        psv = combine(1, accp)

        sbuf[...] = qsv
        pltpu.sync_copy(sbuf, sh_q.at[pl.ds(s * L, L)])
        sbuf[...] = psv
        pltpu.sync_copy(sbuf, sh_pp.at[pl.ds(s * L, L)])
        plsc.subcore_barrier()

        gb = g * GROUP * L
        pltpu.sync_copy(sh_p.at[pl.ds(gb, GROUP * L)], sbuf4)
        p_vec = (sbuf4[pl.ds(0, L)] + sbuf4[pl.ds(L, L)]
                 + sbuf4[pl.ds(2 * L, L)] + sbuf4[pl.ds(3 * L, L)])
        p_i0 = jnp.sum(p_vec)
        offq = jnp.int32(0)
        offp = jnp.int32(0)
        qtot = jnp.int32(0)
        ptot = jnp.int32(0)
        pltpu.sync_copy(sh_q.at[pl.ds(gb, GROUP * L)], sbuf4)
        qjs = [jnp.sum(sbuf4[pl.ds(j * L, L)]) for j in range(GROUP)]
        pltpu.sync_copy(sh_pp.at[pl.ds(gb, GROUP * L)], sbuf4)
        pjs = [jnp.sum(sbuf4[pl.ds(j * L, L)]) for j in range(GROUP)]
        for j in range(GROUP):
            sel = jnp.where(jnp.int32(j) < q, jnp.int32(1), jnp.int32(0))
            offq = offq + sel * qjs[j]
            offp = offp + sel * pjs[j]
            qtot = qtot + qjs[j]
            ptot = ptot + pjs[j]
        p_i = p_i0 + ptot
        p_f = p_i.astype(jnp.float32)
        qtot_f = qtot.astype(jnp.float32)
        ptot_f = ptot.astype(jnp.float32)
        one = jnp.float32(1.0)

        kbase = q * QTR + KEY_BIAS
        lane15 = jnp.full((L,), L - 1, jnp.int32)

        def term_body(i, carry):
            cq_c, cp_c, acc = carry
            for u in range(2):
                idx = i * 2 + u
                qv_i = accq[pl.ds(idx * L, L)]
                pv_i = accp[pl.ds(idx * L, L)]
                cq_i = plsc.cumsum(qv_i) + cq_c
                cp_i = plsc.cumsum(pv_i) + cp_c
                qvf = qv_i.astype(jnp.float32)
                pvf = pv_i.astype(jnp.float32)
                cqf = cq_i.astype(jnp.float32)
                cpf = cp_i.astype(jnp.float32)
                n0 = qtot_f - cqf
                d0 = jnp.maximum(p_f + n0, one)
                d1 = jnp.maximum(p_f + n0 + qvf, one)
                pm = p_f - ptot_f + cpf - pvf
                vbits = ((kbase + idx * L + iota) << SHIFT) | (1 << (SHIFT - 1))
                vhat = lax.bitcast_convert_type(vbits, jnp.float32)
                term = vhat * (pvf / d0 + pm * qvf / (d0 * d1))
                is_top = (p_i == 0) & (n0 == jnp.float32(0.0)) & (qv_i > 0)
                acc = acc + term + jnp.where(is_top, vhat, jnp.float32(0.0))
                cq_c = cq_i.at[lane15].get(mode="promise_in_bounds")
                cp_c = cp_i.at[lane15].get(mode="promise_in_bounds")
            return (cq_c, cp_c, acc)

        zf16 = jnp.zeros((L,), jnp.float32)
        _, _, acc = lax.fori_loop(
            0, QTR // (2 * L), term_body,
            (zero16 + offq, zero16 + offp, zf16))
        qloss = jnp.sum(acc)
        iobuf[...] = jnp.where(iota == 0, qloss, jnp.float32(0.0))
        wid = c * 16 + s
        pltpu.sync_copy(iobuf, out_hbm.at[wid])

    return sc_kernel


_sc_cache = {}


def _get_sc_kernel():
    if "k" not in _sc_cache:
        _sc_cache["k"] = _build(n_per_sample=512 * 512, chunk=8192, unroll=4)
    return _sc_cache["k"]


def kernel(logits, targets):
    out = _get_sc_kernel()(logits, targets)
    return out.sum() / jnp.float32(logits.shape[0])

# --- scband reference (transcript-rebuilt; emitter-appended) ---
"""Pipeline reference for scband-lovasz-loss-11811160064829 (READ-ONLY COPY).

The authoritative reference and input builder live on the scoring server;
editing this copy changes nothing except your own understanding.
"""

import jax, jax.numpy as jnp
import numpy as np


def _lovasz_grad(gt_sorted):
    gts = gt_sorted.sum()
    intersection = gts - jnp.cumsum(gt_sorted)
    union = gts + jnp.cumsum(1.0 - gt_sorted)
    jaccard = 1.0 - intersection / union
    jaccard = jnp.concatenate([jaccard[:1], jaccard[1:] - jaccard[:-1]])
    return jaccard


def setup_inputs(seed: int = 0) -> dict:
    key = jax.random.key(seed)
    k1, k2 = jax.random.split(key)
    logits = jax.random.normal(k1, (8, 1, 512, 512), dtype=jnp.float32)
    targets = jax.random.randint(k2, (8, 512, 512), 0, 2, dtype=jnp.int32)
    return {"logits": logits, "targets": targets}


def reference(logits, targets):
    if logits.shape[1] == 1:
        logits_flat = jnp.squeeze(logits, axis=1)
    else:
        logits_flat = logits[:, 0]
    targets_f = targets.astype(jnp.float32)
    signs = 2.0 * targets_f - 1.0
    errors = 1.0 - logits_flat * signs
    losses = []
    for i in range(errors.shape[0]):
        err = errors[i].reshape(-1)
        tgt = targets_f[i].reshape(-1)
        sorted_idx = jnp.argsort(-err)
        err_sorted = err[sorted_idx]
        gt_sorted = tgt[sorted_idx]
        grad = _lovasz_grad(gt_sorted)
        li = jnp.dot(jax.nn.relu(err_sorted), grad)
        losses.append(li)
    return jnp.stack(losses).mean()

if __name__ == "__main__":
    import jax
    _d = setup_inputs()
    print(jax.jit(kernel)(*tuple(_d.values())))

</pallas_src>

<mosaic_0001>
#map = affine_map<(d0, d1) -> (0, 0, 0, 0)>
#map1 = affine_map<(d0, d1) -> (0, 0, 0)>
#map2 = affine_map<(d0, d1) -> (0, 0)>
module attributes {stable_mosaic.version = 14 : i64} {
  func.func @sc_kernel(%arg0: i32, %arg1: i32, %arg2: memref<8x1x512x512xf32, #tpu.memory_space<hbm>>, %arg3: memref<8x512x512xi32, #tpu.memory_space<hbm>>, %arg4: memref<32x16xf32, #tpu.memory_space<hbm>>, %arg5: memref<16x512xf32, #tpu.memory_space<vmem>>, %arg6: memref<16x512xf32, #tpu.memory_space<vmem>>, %arg7: memref<16x512xi32, #tpu.memory_space<vmem>>, %arg8: memref<16x512xi32, #tpu.memory_space<vmem>>, %arg9: memref<!tpu.dma_semaphore, #tpu.memory_space<semaphore_mem>>, %arg10: memref<!tpu.dma_semaphore, #tpu.memory_space<semaphore_mem>>, %arg11: memref<18496xi32, #tpu.memory_space<vmem>>, %arg12: memref<2304xi32, #tpu.memory_space<vmem>>, %arg13: memref<2304xi32, #tpu.memory_space<vmem>>, %arg14: memref<2304xi32, #tpu.memory_space<vmem>>, %arg15: memref<2304xi32, #tpu.memory_space<vmem>>, %arg16: memref<2304xi32, #tpu.memory_space<vmem>>, %arg17: memref<2304xi32, #tpu.memory_space<vmem>>, %arg18: memref<16xf32, #tpu.memory_space<vmem>>, %arg19: memref<16xi32, #tpu.memory_space<vmem>>, %arg20: memref<64xi32, #tpu.memory_space<vmem>>, %arg21: memref<295936xi32, #tpu.memory_space<vmem_shared>>, %arg22: memref<256xi32, #tpu.memory_space<vmem_shared>>, %arg23: memref<256xi32, #tpu.memory_space<vmem_shared>>, %arg24: memref<256xi32, #tpu.memory_space<vmem_shared>>) attributes {dimension_semantics = [#tpu.dimension_semantics<core_parallel>, #tpu.dimension_semantics<subcore_parallel>], iteration_bounds = array<i64: 2, 16>, scalar_prefetch = 0 : i64, scratch_operands = 20 : i64, tpu.core_type = #tpu.core_type<sc_vector_subcore>, window_params = [{transform_indices = #map}, {transform_indices = #map1}, {transform_indices = #map2}]} {
    %jit3A = arith.constant 4 : i32
    %div3A = arith.divsi %arg1, %jit3A : i32
    %sign3A = arith.constant 0 : i32
    %sign3A_0 = arith.cmpi sgt, %arg1, %sign3A : i32
    %sign3A_1 = arith.extui %sign3A_0 : i1 to i32
    %sign3A_2 = arith.constant 0 : i32
    %sign3A_3 = arith.cmpi slt, %arg1, %sign3A_2 : i32
    %sign3A_4 = arith.extui %sign3A_3 : i1 to i32
    %sign3A_5 = arith.subi %sign3A_1, %sign3A_4 : i32
    %sign3A_6 = arith.constant 0 : i32
    %sign3A_7 = arith.cmpi sgt, %jit3A, %sign3A_6 : i32
    %sign3A_8 = arith.extui %sign3A_7 : i1 to i32
    %sign3A_9 = arith.constant 0 : i32
    %sign3A_10 = arith.cmpi slt, %jit3A, %sign3A_9 : i32
    %sign3A_11 = arith.extui %sign3A_10 : i1 to i32
    %sign3A_12 = arith.subi %sign3A_8, %sign3A_11 : i32
    %ne3A = arith.cmpi ne, %sign3A_5, %sign3A_12 : i32
    %rem3A = arith.remsi %arg1, %jit3A : i32
    %ne3A_13 = arith.constant 0 : i32
    %ne3A_14 = arith.cmpi ne, %rem3A, %ne3A_13 : i32
    %and3A = arith.andi %ne3A, %ne3A_14 : i1
    %sub3A = arith.constant 1 : i32
    %sub3A_15 = arith.subi %div3A, %sub3A : i32
    %select_n3A = arith.select %and3A, %sub3A_15, %div3A : i32
    %jit3A_16 = arith.constant 4 : i32
    %eq3A = arith.constant 0 : i32
    %eq3A_17 = arith.cmpi eq, %jit3A_16, %eq3A : i32
    %jit3A_18 = arith.constant 1 : i32
    %select_n3A_19 = arith.select %eq3A_17, %jit3A_18, %jit3A_16 : i32
    %rem3A_20 = arith.remsi %arg1, %select_n3A_19 : i32
    %ne3A_21 = arith.constant 0 : i32
    %ne3A_22 = arith.cmpi ne, %rem3A_20, %ne3A_21 : i32
    %lt3A = arith.constant 0 : i32
    %lt3A_23 = arith.cmpi slt, %rem3A_20, %lt3A : i32
    %lt3A_24 = arith.constant 0 : i32
    %lt3A_25 = arith.cmpi slt, %select_n3A_19, %lt3A_24 : i32
    %ne3A_26 = arith.xori %lt3A_23, %lt3A_25 : i1
    %and3A_27 = arith.andi %ne3A_26, %ne3A_22 : i1
    %add3A = arith.addi %rem3A_20, %select_n3A_19 : i32
    %select_n3A_28 = arith.select %and3A_27, %add3A, %rem3A_20 : i32
    %mul3A = arith.constant 4 : i32
    %mul3A_29 = arith.muli %arg0, %mul3A : i32
    %add3A_30 = arith.addi %mul3A_29, %select_n3A : i32
    %mul3A_31 = arith.constant 262144 : i32
    %mul3A_32 = arith.muli %add3A_30, %mul3A_31 : i32
    %mul3A_33 = arith.constant 65536 : i32
    %mul3A_34 = arith.muli %select_n3A_28, %mul3A_33 : i32
    %add3A_35 = arith.addi %mul3A_32, %mul3A_34 : i32
    %iota3A = tpu.iota {dimensions = array<i32: 0>} : vector<16xi32>
    %broadcast_in_dim3A = arith.constant 0 : i32
    %broadcast_in_dim3A_36 = vector.broadcast %broadcast_in_dim3A : i32 to vector<16xi32>
    %broadcast_in_dim3A_37 = arith.constant 1 : i32
    %broadcast_in_dim3A_38 = vector.broadcast %broadcast_in_dim3A_37 : i32 to vector<16xi32>
    %parallel_loop3A = arith.constant 0 : i32
    %parallel_loop3A_39 = arith.constant 1156 : i32
    %parallel_loop3A_40 = arith.constant 1 : i32
    scf.for %parallel_loop3A_488 = %parallel_loop3A to %parallel_loop3A_39 step %parallel_loop3A_40  : i32 {
      %parallel_loop3A_489 = arith.constant 16 : i32
      %parallel_loop3A_490 = arith.muli %parallel_loop3A_488, %parallel_loop3A_489 : i32
      %parallel_loop3A_491 = arith.index_cast %parallel_loop3A_490 : i32 to index
      %parallel_loop3A_492 = tpu.vector_load %arg11[%parallel_loop3A_491] {strides = array<i32>} : memref<18496xi32, #tpu.memory_space<vmem>>, vector<16xi32>,
      tpu.vector_store %arg11[%parallel_loop3A_491], %broadcast_in_dim3A_36 {strides = array<i32>} : memref<18496xi32, #tpu.memory_space<vmem>>, vector<16xi32>,
    } {sc.loop_unroll_factor = 8 : i64, sc.parallel_access}
    %mul3A_41 = arith.constant 128 : i32
    %mul3A_42 = arith.muli %select_n3A_28, %mul3A_41 : i32
    %add3A_43 = arith.constant 0 : i32
    %add3A_44 = arith.addi %mul3A_42, %add3A_43 : i32
    %dma_start3A = arith.constant 0 : i32
    %dma_start3A_45 = arith.constant 0 : i32
    %dma_start3A_46 = tpu.memref_slice %arg2[%add3A_30, %dma_start3A, %add3A_44, %dma_start3A_45] : memref<8x1x512x512xf32, #tpu.memory_space<hbm>> -> memref<1x1x16x512xf32, #tpu.memory_space<hbm>>
    %dma_start3A_47 = tpu.memref_squeeze %dma_start3A_46 : memref<1x1x16x512xf32, #tpu.memory_space<hbm>> -> memref<16x512xf32, #tpu.memory_space<hbm>>
    %dma_start3A_48 = arith.constant 0 : i32
    %dma_start3A_49 = tpu.memref_slice %arg2[%add3A_30, %dma_start3A, %add3A_44, %dma_start3A_48] : memref<8x1x512x512xf32, #tpu.memory_space<hbm>> -> memref<1x1x16x512xf32, #tpu.memory_space<hbm>>
    %dma_start3A_50 = tpu.memref_squeeze %dma_start3A_49 : memref<1x1x16x512xf32, #tpu.memory_space<hbm>> -> memref<16x512xf32, #tpu.memory_space<hbm>>
    tpu.enqueue_dma source(%dma_start3A_50 : memref<16x512xf32, #tpu.memory_space<hbm>>) target(%arg5 : memref<16x512xf32, #tpu.memory_space<vmem>>) target_semaphore(%arg9 : memref<!tpu.dma_semaphore, #tpu.memory_space<semaphore_mem>>)
    %dma_start3A_51 = arith.constant 0 : i32
    %dma_start3A_52 = tpu.memref_slice %arg3[%add3A_30, %add3A_44, %dma_start3A_51] : memref<8x512x512xi32, #tpu.memory_space<hbm>> -> memref<1x16x512xi32, #tpu.memory_space<hbm>>
    %dma_start3A_53 = tpu.memref_squeeze %dma_start3A_52 : memref<1x16x512xi32, #tpu.memory_space<hbm>> -> memref<16x512xi32, #tpu.memory_space<hbm>>
    %dma_start3A_54 = arith.constant 0 : i32
    %dma_start3A_55 = tpu.memref_slice %arg3[%add3A_30, %add3A_44, %dma_start3A_54] : memref<8x512x512xi32, #tpu.memory_space<hbm>> -> memref<1x16x512xi32, #tpu.memory_space<hbm>>
    %dma_start3A_56 = tpu.memref_squeeze %dma_start3A_55 : memref<1x16x512xi32, #tpu.memory_space<hbm>> -> memref<16x512xi32, #tpu.memory_space<hbm>>
    tpu.enqueue_dma source(%dma_start3A_56 : memref<16x512xi32, #tpu.memory_space<hbm>>) target(%arg7 : memref<16x512xi32, #tpu.memory_space<vmem>>) target_semaphore(%arg9 : memref<!tpu.dma_semaphore, #tpu.memory_space<semaphore_mem>>)
    %add3A_57 = arith.constant 16 : i32
    %add3A_58 = arith.addi %mul3A_42, %add3A_57 : i32
    %dma_start3A_59 = arith.constant 0 : i32
    %dma_start3A_60 = arith.constant 0 : i32
    %dma_start3A_61 = tpu.memref_slice %arg2[%add3A_30, %dma_start3A_59, %add3A_58, %dma_start3A_60] : memref<8x1x512x512xf32, #tpu.memory_space<hbm>> -> memref<1x1x16x512xf32, #tpu.memory_space<hbm>>
    %dma_start3A_62 = tpu.memref_squeeze %dma_start3A_61 : memref<1x1x16x512xf32, #tpu.memory_space<hbm>> -> memref<16x512xf32, #tpu.memory_space<hbm>>
    %dma_start3A_63 = arith.constant 0 : i32
    %dma_start3A_64 = tpu.memref_slice %arg2[%add3A_30, %dma_start3A_59, %add3A_58, %dma_start3A_63] : memref<8x1x512x512xf32, #tpu.memory_space<hbm>> -> memref<1x1x16x512xf32, #tpu.memory_space<hbm>>
    %dma_start3A_65 = tpu.memref_squeeze %dma_start3A_64 : memref<1x1x16x512xf32, #tpu.memory_space<hbm>> -> memref<16x512xf32, #tpu.memory_space<hbm>>
    tpu.enqueue_dma source(%dma_start3A_65 : memref<16x512xf32, #tpu.memory_space<hbm>>) target(%arg6 : memref<16x512xf32, #tpu.memory_space<vmem>>) target_semaphore(%arg10 : memref<!tpu.dma_semaphore, #tpu.memory_space<semaphore_mem>>)
    %dma_start3A_66 = arith.constant 0 : i32
    %dma_start3A_67 = tpu.memref_slice %arg3[%add3A_30, %add3A_58, %dma_start3A_66] : memref<8x512x512xi32, #tpu.memory_space<hbm>> -> memref<1x16x512xi32, #tpu.memory_space<hbm>>
    %dma_start3A_68 = tpu.memref_squeeze %dma_start3A_67 : memref<1x16x512xi32, #tpu.memory_space<hbm>> -> memref<16x512xi32, #tpu.memory_space<hbm>>
    %dma_start3A_69 = arith.constant 0 : i32
    %dma_start3A_70 = tpu.memref_slice %arg3[%add3A_30, %add3A_58, %dma_start3A_69] : memref<8x512x512xi32, #tpu.memory_space<hbm>> -> memref<1x16x512xi32, #tpu.memory_space<hbm>>
    %dma_start3A_71 = tpu.memref_squeeze %dma_start3A_70 : memref<1x16x512xi32, #tpu.memory_space<hbm>> -> memref<16x512xi32, #tpu.memory_space<hbm>>
    tpu.enqueue_dma source(%dma_start3A_71 : memref<16x512xi32, #tpu.memory_space<hbm>>) target(%arg8 : memref<16x512xi32, #tpu.memory_space<vmem>>) target_semaphore(%arg10 : memref<!tpu.dma_semaphore, #tpu.memory_space<semaphore_mem>>)
    %scan3A = arith.constant 0 : i32
    %scan3A_72 = arith.constant 0 : i32
    %scan3A_73 = arith.constant 4 : i32
    %scan3A_74 = arith.addi %scan3A_72, %scan3A_73 : i32
    %scan3A_75 = arith.constant 1 : i32
    %scan3A_76 = scf.for %scan3A_488 = %scan3A_72 to %scan3A_74 step %scan3A_75 iter_args(%scan3A_489 = %scan3A) -> (i32)  : i32 {
      %mul3A_490 = arith.constant 2 : i32
      %mul3A_491 = arith.muli %scan3A_488, %mul3A_490 : i32
      %add3A_492 = arith.constant 0 : i32
      %add3A_493 = arith.addi %mul3A_491, %add3A_492 : i32
      %mul3A_494 = arith.constant 16 : i32
      %mul3A_495 = arith.muli %add3A_493, %mul3A_494 : i32
      %add3A_496 = arith.addi %mul3A_42, %mul3A_495 : i32
      %dma_wait3A_497 = arith.constant 0 : i32
      %dma_wait3A_498 = arith.constant 0 : i32
      %dma_wait3A_499 = tpu.memref_slice %arg2[%add3A_30, %dma_wait3A_497, %add3A_496, %dma_wait3A_498] : memref<8x1x512x512xf32, #tpu.memory_space<hbm>> -> memref<1x1x16x512xf32, #tpu.memory_space<hbm>>
      %dma_wait3A_500 = tpu.memref_squeeze %dma_wait3A_499 : memref<1x1x16x512xf32, #tpu.memory_space<hbm>> -> memref<16x512xf32, #tpu.memory_space<hbm>>
      %dma_wait3A_501 = arith.constant 0 : i32
      %dma_wait3A_502 = tpu.memref_slice %arg2[%add3A_30, %dma_wait3A_497, %add3A_496, %dma_wait3A_501] : memref<8x1x512x512xf32, #tpu.memory_space<hbm>> -> memref<1x1x16x512xf32, #tpu.memory_space<hbm>>
      %dma_wait3A_503 = tpu.memref_squeeze %dma_wait3A_502 : memref<1x1x16x512xf32, #tpu.memory_space<hbm>> -> memref<16x512xf32, #tpu.memory_space<hbm>>
      tpu.wait_dma2 semaphore(%arg9 : memref<!tpu.dma_semaphore, #tpu.memory_space<semaphore_mem>>) src(%dma_wait3A_503 : memref<16x512xf32, #tpu.memory_space<hbm>>) dst(%arg5 : memref<16x512xf32, #tpu.memory_space<vmem>>)
      %dma_wait3A_504 = arith.constant 0 : i32
      %dma_wait3A_505 = tpu.memref_slice %arg3[%add3A_30, %add3A_496, %dma_wait3A_504] : memref<8x512x512xi32, #tpu.memory_space<hbm>> -> memref<1x16x512xi32, #tpu.memory_space<hbm>>
      %dma_wait3A_506 = tpu.memref_squeeze %dma_wait3A_505 : memref<1x16x512xi32, #tpu.memory_space<hbm>> -> memref<16x512xi32, #tpu.memory_space<hbm>>
      %dma_wait3A_507 = arith.constant 0 : i32
      %dma_wait3A_508 = tpu.memref_slice %arg3[%add3A_30, %add3A_496, %dma_wait3A_507] : memref<8x512x512xi32, #tpu.memory_space<hbm>> -> memref<1x16x512xi32, #tpu.memory_space<hbm>>
      %dma_wait3A_509 = tpu.memref_squeeze %dma_wait3A_508 : memref<1x16x512xi32, #tpu.memory_space<hbm>> -> memref<16x512xi32, #tpu.memory_space<hbm>>
      tpu.wait_dma2 semaphore(%arg9 : memref<!tpu.dma_semaphore, #tpu.memory_space<semaphore_mem>>) src(%dma_wait3A_509 : memref<16x512xi32, #tpu.memory_space<hbm>>) dst(%arg7 : memref<16x512xi32, #tpu.memory_space<vmem>>)
      %parallel_loop3A_510 = arith.constant 0 : i32
      %parallel_loop3A_511 = arith.constant 512 : i32
      %parallel_loop3A_512 = arith.constant 1 : i32
      scf.for %parallel_loop3A_550 = %parallel_loop3A_510 to %parallel_loop3A_511 step %parallel_loop3A_512  : i32 {
        %parallel_loop3A_551 = arith.constant 16 : i32
        %parallel_loop3A_552 = arith.muli %parallel_loop3A_550, %parallel_loop3A_551 : i32
        %parallel_loop3A_553 = arith.constant 512 : i32
        %parallel_loop3A_554 = arith.divsi %parallel_loop3A_552, %parallel_loop3A_553 : i32
        %parallel_loop3A_555 = arith.constant 0 : i32
        %parallel_loop3A_556 = arith.cmpi sgt, %parallel_loop3A_552, %parallel_loop3A_555 : i32
        %parallel_loop3A_557 = arith.extui %parallel_loop3A_556 : i1 to i32
        %parallel_loop3A_558 = arith.constant 0 : i32
        %parallel_loop3A_559 = arith.cmpi slt, %parallel_loop3A_552, %parallel_loop3A_558 : i32
        %parallel_loop3A_560 = arith.extui %parallel_loop3A_559 : i1 to i32
        %parallel_loop3A_561 = arith.subi %parallel_loop3A_557, %parallel_loop3A_560 : i32
        %parallel_loop3A_562 = arith.constant 0 : i32
        %parallel_loop3A_563 = arith.cmpi sgt, %parallel_loop3A_553, %parallel_loop3A_562 : i32
        %parallel_loop3A_564 = arith.extui %parallel_loop3A_563 : i1 to i32
        %parallel_loop3A_565 = arith.constant 0 : i32
        %parallel_loop3A_566 = arith.cmpi slt, %parallel_loop3A_553, %parallel_loop3A_565 : i32
        %parallel_loop3A_567 = arith.extui %parallel_loop3A_566 : i1 to i32
        %parallel_loop3A_568 = arith.subi %parallel_loop3A_564, %parallel_loop3A_567 : i32
        %parallel_loop3A_569 = arith.cmpi ne, %parallel_loop3A_561, %parallel_loop3A_568 : i32
        %parallel_loop3A_570 = arith.remsi %parallel_loop3A_552, %parallel_loop3A_553 : i32
        %parallel_loop3A_571 = arith.constant 0 : i32
        %parallel_loop3A_572 = arith.cmpi ne, %parallel_loop3A_570, %parallel_loop3A_571 : i32
        %parallel_loop3A_573 = arith.andi %parallel_loop3A_569, %parallel_loop3A_572 : i1
        %parallel_loop3A_574 = arith.constant 1 : i32
        %parallel_loop3A_575 = arith.subi %parallel_loop3A_554, %parallel_loop3A_574 : i32
        %parallel_loop3A_576 = arith.select %parallel_loop3A_573, %parallel_loop3A_575, %parallel_loop3A_554 : i32
        %parallel_loop3A_577 = arith.constant 512 : i32
        %parallel_loop3A_578 = arith.constant 0 : i32
        %parallel_loop3A_579 = arith.cmpi eq, %parallel_loop3A_577, %parallel_loop3A_578 : i32
        %parallel_loop3A_580 = arith.constant 1 : i32
        %parallel_loop3A_581 = arith.select %parallel_loop3A_579, %parallel_loop3A_580, %parallel_loop3A_577 : i32
        %parallel_loop3A_582 = arith.remsi %parallel_loop3A_552, %parallel_loop3A_581 : i32
        %parallel_loop3A_583 = arith.constant 0 : i32
        %parallel_loop3A_584 = arith.cmpi ne, %parallel_loop3A_582, %parallel_loop3A_583 : i32
        %parallel_loop3A_585 = arith.constant 0 : i32
        %parallel_loop3A_586 = arith.cmpi slt, %parallel_loop3A_582, %parallel_loop3A_585 : i32
        %parallel_loop3A_587 = arith.constant 0 : i32
        %parallel_loop3A_588 = arith.cmpi slt, %parallel_loop3A_581, %parallel_loop3A_587 : i32
        %parallel_loop3A_589 = arith.xori %parallel_loop3A_586, %parallel_loop3A_588 : i1
        %parallel_loop3A_590 = arith.andi %parallel_loop3A_589, %parallel_loop3A_584 : i1
        %parallel_loop3A_591 = arith.addi %parallel_loop3A_582, %parallel_loop3A_581 : i32
        %parallel_loop3A_592 = arith.select %parallel_loop3A_590, %parallel_loop3A_591, %parallel_loop3A_582 : i32
        %parallel_loop3A_593 = arith.index_cast %parallel_loop3A_576 : i32 to index
        %parallel_loop3A_594 = arith.index_cast %parallel_loop3A_592 : i32 to index
        %parallel_loop3A_595 = tpu.vector_load %arg5[%parallel_loop3A_593, %parallel_loop3A_594] {strides = array<i32>} : memref<16x512xf32, #tpu.memory_space<vmem>>, vector<16xf32>,
        %parallel_loop3A_596 = arith.constant 512 : i32
        %parallel_loop3A_597 = arith.divsi %parallel_loop3A_552, %parallel_loop3A_596 : i32
        %parallel_loop3A_598 = arith.constant 0 : i32
        %parallel_loop3A_599 = arith.cmpi sgt, %parallel_loop3A_552, %parallel_loop3A_598 : i32
        %parallel_loop3A_600 = arith.extui %parallel_loop3A_599 : i1 to i32
        %parallel_loop3A_601 = arith.constant 0 : i32
        %parallel_loop3A_602 = arith.cmpi slt, %parallel_loop3A_552, %parallel_loop3A_601 : i32
        %parallel_loop3A_603 = arith.extui %parallel_loop3A_602 : i1 to i32
        %parallel_loop3A_604 = arith.subi %parallel_loop3A_600, %parallel_loop3A_603 : i32
        %parallel_loop3A_605 = arith.constant 0 : i32
        %parallel_loop3A_606 = arith.cmpi sgt, %parallel_loop3A_596, %parallel_loop3A_605 : i32
        %parallel_loop3A_607 = arith.extui %parallel_loop3A_606 : i1 to i32
        %parallel_loop3A_608 = arith.constant 0 : i32
        %parallel_loop3A_609 = arith.cmpi slt, %parallel_loop3A_596, %parallel_loop3A_608 : i32
        %parallel_loop3A_610 = arith.extui %parallel_loop3A_609 : i1 to i32
        %parallel_loop3A_611 = arith.subi %parallel_loop3A_607, %parallel_loop3A_610 : i32
        %parallel_loop3A_612 = arith.cmpi ne, %parallel_loop3A_604, %parallel_loop3A_611 : i32
        %parallel_loop3A_613 = arith.remsi %parallel_loop3A_552, %parallel_loop3A_596 : i32
        %parallel_loop3A_614 = arith.constant 0 : i32
        %parallel_loop3A_615 = arith.cmpi ne, %parallel_loop3A_613, %parallel_loop3A_614 : i32
        %parallel_loop3A_616 = arith.andi %parallel_loop3A_612, %parallel_loop3A_615 : i1
        %parallel_loop3A_617 = arith.constant 1 : i32
        %parallel_loop3A_618 = arith.subi %parallel_loop3A_597, %parallel_loop3A_617 : i32
        %parallel_loop3A_619 = arith.select %parallel_loop3A_616, %parallel_loop3A_618, %parallel_loop3A_597 : i32
        %parallel_loop3A_620 = arith.constant 512 : i32
        %parallel_loop3A_621 = arith.constant 0 : i32
        %parallel_loop3A_622 = arith.cmpi eq, %parallel_loop3A_620, %parallel_loop3A_621 : i32
        %parallel_loop3A_623 = arith.constant 1 : i32
        %parallel_loop3A_624 = arith.select %parallel_loop3A_622, %parallel_loop3A_623, %parallel_loop3A_620 : i32
        %parallel_loop3A_625 = arith.remsi %parallel_loop3A_552, %parallel_loop3A_624 : i32
        %parallel_loop3A_626 = arith.constant 0 : i32
        %parallel_loop3A_627 = arith.cmpi ne, %parallel_loop3A_625, %parallel_loop3A_626 : i32
        %parallel_loop3A_628 = arith.constant 0 : i32
        %parallel_loop3A_629 = arith.cmpi slt, %parallel_loop3A_625, %parallel_loop3A_628 : i32
        %parallel_loop3A_630 = arith.constant 0 : i32
        %parallel_loop3A_631 = arith.cmpi slt, %parallel_loop3A_624, %parallel_loop3A_630 : i32
        %parallel_loop3A_632 = arith.xori %parallel_loop3A_629, %parallel_loop3A_631 : i1
        %parallel_loop3A_633 = arith.andi %parallel_loop3A_632, %parallel_loop3A_627 : i1
        %parallel_loop3A_634 = arith.addi %parallel_loop3A_625, %parallel_loop3A_624 : i32
        %parallel_loop3A_635 = arith.select %parallel_loop3A_633, %parallel_loop3A_634, %parallel_loop3A_625 : i32
        %parallel_loop3A_636 = arith.index_cast %parallel_loop3A_619 : i32 to index
        %parallel_loop3A_637 = arith.index_cast %parallel_loop3A_635 : i32 to index
        %parallel_loop3A_638 = tpu.vector_load %arg7[%parallel_loop3A_636, %parallel_loop3A_637] {strides = array<i32>} : memref<16x512xi32, #tpu.memory_space<vmem>>, vector<16xi32>,
        %parallel_loop3A_639 = tpu.bitcast %parallel_loop3A_595 : vector<16xf32> -> vector<16xi32>
        %parallel_loop3A_640 = arith.constant 31 : i32
        %parallel_loop3A_641 = vector.broadcast %parallel_loop3A_640 : i32 to vector<16xi32>
        %parallel_loop3A_642 = arith.shli %parallel_loop3A_638, %parallel_loop3A_641 : vector<16xi32>
        %parallel_loop3A_643 = arith.xori %parallel_loop3A_639, %parallel_loop3A_642 : vector<16xi32>
        %parallel_loop3A_644 = tpu.bitcast %parallel_loop3A_643 : vector<16xi32> -> vector<16xf32>
        %parallel_loop3A_645 = arith.constant 1.000000e+00 : f32
        %parallel_loop3A_646 = vector.broadcast %parallel_loop3A_645 : f32 to vector<16xf32>
        %parallel_loop3A_647 = arith.addf %parallel_loop3A_646, %parallel_loop3A_644 : vector<16xf32>
        %parallel_loop3A_648 = tpu.bitcast %parallel_loop3A_647 : vector<16xf32> -> vector<16xi32>
        %parallel_loop3A_649 = arith.constant 9216 : i32
        %parallel_loop3A_650 = vector.broadcast %parallel_loop3A_649 : i32 to vector<16xi32>
        %parallel_loop3A_651 = arith.muli %parallel_loop3A_638, %parallel_loop3A_650 : vector<16xi32>
        %parallel_loop3A_652 = arith.constant 15 : i32
        %parallel_loop3A_653 = vector.broadcast %parallel_loop3A_652 : i32 to vector<16xi32>
        %parallel_loop3A_654 = arith.shrsi %parallel_loop3A_648, %parallel_loop3A_653 : vector<16xi32>
        %parallel_loop3A_655 = arith.constant 27328 : i32
        %parallel_loop3A_656 = vector.broadcast %parallel_loop3A_655 : i32 to vector<16xi32>
        %parallel_loop3A_657 = arith.subi %parallel_loop3A_654, %parallel_loop3A_656 : vector<16xi32>
        %parallel_loop3A_658 = arith.addi %parallel_loop3A_657, %parallel_loop3A_651 : vector<16xi32>
        %parallel_loop3A_659 = arith.constant 4 : i32
        %parallel_loop3A_660 = vector.broadcast %parallel_loop3A_659 : i32 to vector<16xi32>
        %parallel_loop3A_661 = arith.shli %parallel_loop3A_638, %parallel_loop3A_660 : vector<16xi32>
        %parallel_loop3A_662 = arith.addi %parallel_loop3A_661, %iota3A : vector<16xi32>
        %parallel_loop3A_663 = arith.maxsi %parallel_loop3A_658, %parallel_loop3A_662 : vector<16xi32>
        %parallel_loop3A_664 = arith.constant 9279 : i32
        %parallel_loop3A_665 = vector.broadcast %parallel_loop3A_664 : i32 to vector<16xi32>
        %parallel_loop3A_666 = arith.addi %parallel_loop3A_651, %parallel_loop3A_665 : vector<16xi32>
        %parallel_loop3A_667 = arith.minsi %parallel_loop3A_663, %parallel_loop3A_666 : vector<16xi32>
        tpu.vector_store_idx %arg11[%parallel_loop3A_667], %broadcast_in_dim3A_38 {add = true} : memref<18496xi32, #tpu.memory_space<vmem>>[vector<16xi32>], vector<16xi32>,
      } {sc.loop_unroll_factor = 4 : i64, sc.parallel_access}
      %add3A_513 = arith.constant 2 : i32
      %add3A_514 = arith.addi %add3A_493, %add3A_513 : i32
      %lt3A_515 = arith.constant 8 : i32
      %lt3A_516 = arith.cmpi slt, %add3A_514, %lt3A_515 : i32
      %convert_element_type3A_517 = arith.extui %lt3A_516 : i1 to i32
      %cond3A = arith.constant 0 : i32
      %cond3A_518 = arith.cmpi ne, %convert_element_type3A_517, %cond3A : i32
      scf.if %cond3A_518 {
        %add3A_550 = arith.constant 2 : i32
        %add3A_551 = arith.addi %add3A_493, %add3A_550 : i32
        %mul3A_552 = arith.constant 16 : i32
        %mul3A_553 = arith.muli %add3A_551, %mul3A_552 : i32
        %add3A_554 = arith.addi %mul3A_42, %mul3A_553 : i32
        %dma_start3A_555 = arith.constant 0 : i32
        %dma_start3A_556 = arith.constant 0 : i32
        %dma_start3A_557 = tpu.memref_slice %arg2[%add3A_30, %dma_start3A_555, %add3A_554, %dma_start3A_556] : memref<8x1x512x512xf32, #tpu.memory_space<hbm>> -> memref<1x1x16x512xf32, #tpu.memory_space<hbm>>
        %dma_start3A_558 = tpu.memref_squeeze %dma_start3A_557 : memref<1x1x16x512xf32, #tpu.memory_space<hbm>> -> memref<16x512xf32, #tpu.memory_space<hbm>>
        %dma_start3A_559 = arith.constant 0 : i32
        %dma_start3A_560 = tpu.memref_slice %arg2[%add3A_30, %dma_start3A_555, %add3A_554, %dma_start3A_559] : memref<8x1x512x512xf32, #tpu.memory_space<hbm>> -> memref<1x1x16x512xf32, #tpu.memory_space<hbm>>
        %dma_start3A_561 = tpu.memref_squeeze %dma_start3A_560 : memref<1x1x16x512xf32, #tpu.memory_space<hbm>> -> memref<16x512xf32, #tpu.memory_space<hbm>>
        tpu.enqueue_dma source(%dma_start3A_561 : memref<16x512xf32, #tpu.memory_space<hbm>>) target(%arg5 : memref<16x512xf32, #tpu.memory_space<vmem>>) target_semaphore(%arg9 : memref<!tpu.dma_semaphore, #tpu.memory_space<semaphore_mem>>)
        %dma_start3A_562 = arith.constant 0 : i32
        %dma_start3A_563 = tpu.memref_slice %arg3[%add3A_30, %add3A_554, %dma_start3A_562] : memref<8x512x512xi32, #tpu.memory_space<hbm>> -> memref<1x16x512xi32, #tpu.memory_space<hbm>>
        %dma_start3A_564 = tpu.memref_squeeze %dma_start3A_563 : memref<1x16x512xi32, #tpu.memory_space<hbm>> -> memref<16x512xi32, #tpu.memory_space<hbm>>
        %dma_start3A_565 = arith.constant 0 : i32
        %dma_start3A_566 = tpu.memref_slice %arg3[%add3A_30, %add3A_554, %dma_start3A_565] : memref<8x512x512xi32, #tpu.memory_space<hbm>> -> memref<1x16x512xi32, #tpu.memory_space<hbm>>
        %dma_start3A_567 = tpu.memref_squeeze %dma_start3A_566 : memref<1x16x512xi32, #tpu.memory_space<hbm>> -> memref<16x512xi32, #tpu.memory_space<hbm>>
        tpu.enqueue_dma source(%dma_start3A_567 : memref<16x512xi32, #tpu.memory_space<hbm>>) target(%arg7 : memref<16x512xi32, #tpu.memory_space<vmem>>) target_semaphore(%arg9 : memref<!tpu.dma_semaphore, #tpu.memory_space<semaphore_mem>>)
      } else {
      }
      %mul3A_519 = arith.constant 2 : i32
      %mul3A_520 = arith.muli %scan3A_488, %mul3A_519 : i32
      %add3A_521 = arith.constant 1 : i32
      %add3A_522 = arith.addi %mul3A_520, %add3A_521 : i32
      %mul3A_523 = arith.constant 16 : i32
      %mul3A_524 = arith.muli %add3A_522, %mul3A_523 : i32
      %add3A_525 = arith.addi %mul3A_42, %mul3A_524 : i32
      %dma_wait3A_526 = arith.constant 0 : i32
      %dma_wait3A_527 = arith.constant 0 : i32
      %dma_wait3A_528 = tpu.memref_slice %arg2[%add3A_30, %dma_wait3A_526, %add3A_525, %dma_wait3A_527] : memref<8x1x512x512xf32, #tpu.memory_space<hbm>> -> memref<1x1x16x512xf32, #tpu.memory_space<hbm>>
      %dma_wait3A_529 = tpu.memref_squeeze %dma_wait3A_528 : memref<1x1x16x512xf32, #tpu.memory_space<hbm>> -> memref<16x512xf32, #tpu.memory_space<hbm>>
      %dma_wait3A_530 = arith.constant 0 : i32
      %dma_wait3A_531 = tpu.memref_slice %arg2[%add3A_30, %dma_wait3A_526, %add3A_525, %dma_wait3A_530] : memref<8x1x512x512xf32, #tpu.memory_space<hbm>> -> memref<1x1x16x512xf32, #tpu.memory_space<hbm>>
      %dma_wait3A_532 = tpu.memref_squeeze %dma_wait3A_531 : memref<1x1x16x512xf32, #tpu.memory_space<hbm>> -> memref<16x512xf32, #tpu.memory_space<hbm>>
      tpu.wait_dma2 semaphore(%arg10 : memref<!tpu.dma_semaphore, #tpu.memory_space<semaphore_mem>>) src(%dma_wait3A_532 : memref<16x512xf32, #tpu.memory_space<hbm>>) dst(%arg6 : memref<16x512xf32, #tpu.memory_space<vmem>>)
      %dma_wait3A_533 = arith.constant 0 : i32
      %dma_wait3A_534 = tpu.memref_slice %arg3[%add3A_30, %add3A_525, %dma_wait3A_533] : memref<8x512x512xi32, #tpu.memory_space<hbm>> -> memref<1x16x512xi32, #tpu.memory_space<hbm>>
      %dma_wait3A_535 = tpu.memref_squeeze %dma_wait3A_534 : memref<1x16x512xi32, #tpu.memory_space<hbm>> -> memref<16x512xi32, #tpu.memory_space<hbm>>
      %dma_wait3A_536 = arith.constant 0 : i32
      %dma_wait3A_537 = tpu.memref_slice %arg3[%add3A_30, %add3A_525, %dma_wait3A_536] : memref<8x512x512xi32, #tpu.memory_space<hbm>> -> memref<1x16x512xi32, #tpu.memory_space<hbm>>
      %dma_wait3A_538 = tpu.memref_squeeze %dma_wait3A_537 : memref<1x16x512xi32, #tpu.memory_space<hbm>> -> memref<16x512xi32, #tpu.memory_space<hbm>>
      tpu.wait_dma2 semaphore(%arg10 : memref<!tpu.dma_semaphore, #tpu.memory_space<semaphore_mem>>) src(%dma_wait3A_538 : memref<16x512xi32, #tpu.memory_space<hbm>>) dst(%arg8 : memref<16x512xi32, #tpu.memory_space<vmem>>)
      %parallel_loop3A_539 = arith.constant 0 : i32
      %parallel_loop3A_540 = arith.constant 512 : i32
      %parallel_loop3A_541 = arith.constant 1 : i32
      scf.for %parallel_loop3A_550 = %parallel_loop3A_539 to %parallel_loop3A_540 step %parallel_loop3A_541  : i32 {
        %parallel_loop3A_551 = arith.constant 16 : i32
        %parallel_loop3A_552 = arith.muli %parallel_loop3A_550, %parallel_loop3A_551 : i32
        %parallel_loop3A_553 = arith.constant 512 : i32
        %parallel_loop3A_554 = arith.divsi %parallel_loop3A_552, %parallel_loop3A_553 : i32
        %parallel_loop3A_555 = arith.constant 0 : i32
        %parallel_loop3A_556 = arith.cmpi sgt, %parallel_loop3A_552, %parallel_loop3A_555 : i32
        %parallel_loop3A_557 = arith.extui %parallel_loop3A_556 : i1 to i32
        %parallel_loop3A_558 = arith.constant 0 : i32
        %parallel_loop3A_559 = arith.cmpi slt, %parallel_loop3A_552, %parallel_loop3A_558 : i32
        %parallel_loop3A_560 = arith.extui %parallel_loop3A_559 : i1 to i32
        %parallel_loop3A_561 = arith.subi %parallel_loop3A_557, %parallel_loop3A_560 : i32
        %parallel_loop3A_562 = arith.constant 0 : i32
        %parallel_loop3A_563 = arith.cmpi sgt, %parallel_loop3A_553, %parallel_loop3A_562 : i32
        %parallel_loop3A_564 = arith.extui %parallel_loop3A_563 : i1 to i32
        %parallel_loop3A_565 = arith.constant 0 : i32
        %parallel_loop3A_566 = arith.cmpi slt, %parallel_loop3A_553, %parallel_loop3A_565 : i32
        %parallel_loop3A_567 = arith.extui %parallel_loop3A_566 : i1 to i32
        %parallel_loop3A_568 = arith.subi %parallel_loop3A_564, %parallel_loop3A_567 : i32
        %parallel_loop3A_569 = arith.cmpi ne, %parallel_loop3A_561, %parallel_loop3A_568 : i32
        %parallel_loop3A_570 = arith.remsi %parallel_loop3A_552, %parallel_loop3A_553 : i32
        %parallel_loop3A_571 = arith.constant 0 : i32
        %parallel_loop3A_572 = arith.cmpi ne, %parallel_loop3A_570, %parallel_loop3A_571 : i32
        %parallel_loop3A_573 = arith.andi %parallel_loop3A_569, %parallel_loop3A_572 : i1
        %parallel_loop3A_574 = arith.constant 1 : i32
        %parallel_loop3A_575 = arith.subi %parallel_loop3A_554, %parallel_loop3A_574 : i32
        %parallel_loop3A_576 = arith.select %parallel_loop3A_573, %parallel_loop3A_575, %parallel_loop3A_554 : i32
        %parallel_loop3A_577 = arith.constant 512 : i32
        %parallel_loop3A_578 = arith.constant 0 : i32
        %parallel_loop3A_579 = arith.cmpi eq, %parallel_loop3A_577, %parallel_loop3A_578 : i32
        %parallel_loop3A_580 = arith.constant 1 : i32
        %parallel_loop3A_581 = arith.select %parallel_loop3A_579, %parallel_loop3A_580, %parallel_loop3A_577 : i32
        %parallel_loop3A_582 = arith.remsi %parallel_loop3A_552, %parallel_loop3A_581 : i32
        %parallel_loop3A_583 = arith.constant 0 : i32
        %parallel_loop3A_584 = arith.cmpi ne, %parallel_loop3A_582, %parallel_loop3A_583 : i32
        %parallel_loop3A_585 = arith.constant 0 : i32
        %parallel_loop3A_586 = arith.cmpi slt, %parallel_loop3A_582, %parallel_loop3A_585 : i32
        %parallel_loop3A_587 = arith.constant 0 : i32
        %parallel_loop3A_588 = arith.cmpi slt, %parallel_loop3A_581, %parallel_loop3A_587 : i32
        %parallel_loop3A_589 = arith.xori %parallel_loop3A_586, %parallel_loop3A_588 : i1
        %parallel_loop3A_590 = arith.andi %parallel_loop3A_589, %parallel_loop3A_584 : i1
        %parallel_loop3A_591 = arith.addi %parallel_loop3A_582, %parallel_loop3A_581 : i32
        %parallel_loop3A_592 = arith.select %parallel_loop3A_590, %parallel_loop3A_591, %parallel_loop3A_582 : i32
        %parallel_loop3A_593 = arith.index_cast %parallel_loop3A_576 : i32 to index
        %parallel_loop3A_594 = arith.index_cast %parallel_loop3A_592 : i32 to index
        %parallel_loop3A_595 = tpu.vector_load %arg6[%parallel_loop3A_593, %parallel_loop3A_594] {strides = array<i32>} : memref<16x512xf32, #tpu.memory_space<vmem>>, vector<16xf32>,
        %parallel_loop3A_596 = arith.constant 512 : i32
        %parallel_loop3A_597 = arith.divsi %parallel_loop3A_552, %parallel_loop3A_596 : i32
        %parallel_loop3A_598 = arith.constant 0 : i32
        %parallel_loop3A_599 = arith.cmpi sgt, %parallel_loop3A_552, %parallel_loop3A_598 : i32
        %parallel_loop3A_600 = arith.extui %parallel_loop3A_599 : i1 to i32
        %parallel_loop3A_601 = arith.constant 0 : i32
        %parallel_loop3A_602 = arith.cmpi slt, %parallel_loop3A_552, %parallel_loop3A_601 : i32
        %parallel_loop3A_603 = arith.extui %parallel_loop3A_602 : i1 to i32
        %parallel_loop3A_604 = arith.subi %parallel_loop3A_600, %parallel_loop3A_603 : i32
        %parallel_loop3A_605 = arith.constant 0 : i32
        %parallel_loop3A_606 = arith.cmpi sgt, %parallel_loop3A_596, %parallel_loop3A_605 : i32
        %parallel_loop3A_607 = arith.extui %parallel_loop3A_606 : i1 to i32
        %parallel_loop3A_608 = arith.constant 0 : i32
        %parallel_loop3A_609 = arith.cmpi slt, %parallel_loop3A_596, %parallel_loop3A_608 : i32
        %parallel_loop3A_610 = arith.extui %parallel_loop3A_609 : i1 to i32
        %parallel_loop3A_611 = arith.subi %parallel_loop3A_607, %parallel_loop3A_610 : i32
        %parallel_loop3A_612 = arith.cmpi ne, %parallel_loop3A_604, %parallel_loop3A_611 : i32
        %parallel_loop3A_613 = arith.remsi %parallel_loop3A_552, %parallel_loop3A_596 : i32
        %parallel_loop3A_614 = arith.constant 0 : i32
        %parallel_loop3A_615 = arith.cmpi ne, %parallel_loop3A_613, %parallel_loop3A_614 : i32
        %parallel_loop3A_616 = arith.andi %parallel_loop3A_612, %parallel_loop3A_615 : i1
        %parallel_loop3A_617 = arith.constant 1 : i32
        %parallel_loop3A_618 = arith.subi %parallel_loop3A_597, %parallel_loop3A_617 : i32
        %parallel_loop3A_619 = arith.select %parallel_loop3A_616, %parallel_loop3A_618, %parallel_loop3A_597 : i32
        %parallel_loop3A_620 = arith.constant 512 : i32
        %parallel_loop3A_621 = arith.constant 0 : i32
        %parallel_loop3A_622 = arith.cmpi eq, %parallel_loop3A_620, %parallel_loop3A_621 : i32
        %parallel_loop3A_623 = arith.constant 1 : i32
        %parallel_loop3A_624 = arith.select %parallel_loop3A_622, %parallel_loop3A_623, %parallel_loop3A_620 : i32
        %parallel_loop3A_625 = arith.remsi %parallel_loop3A_552, %parallel_loop3A_624 : i32
        %parallel_loop3A_626 = arith.constant 0 : i32
        %parallel_loop3A_627 = arith.cmpi ne, %parallel_loop3A_625, %parallel_loop3A_626 : i32
        %parallel_loop3A_628 = arith.constant 0 : i32
        %parallel_loop3A_629 = arith.cmpi slt, %parallel_loop3A_625, %parallel_loop3A_628 : i32
        %parallel_loop3A_630 = arith.constant 0 : i32
        %parallel_loop3A_631 = arith.cmpi slt, %parallel_loop3A_624, %parallel_loop3A_630 : i32
        %parallel_loop3A_632 = arith.xori %parallel_loop3A_629, %parallel_loop3A_631 : i1
        %parallel_loop3A_633 = arith.andi %parallel_loop3A_632, %parallel_loop3A_627 : i1
        %parallel_loop3A_634 = arith.addi %parallel_loop3A_625, %parallel_loop3A_624 : i32
        %parallel_loop3A_635 = arith.select %parallel_loop3A_633, %parallel_loop3A_634, %parallel_loop3A_625 : i32
        %parallel_loop3A_636 = arith.index_cast %parallel_loop3A_619 : i32 to index
        %parallel_loop3A_637 = arith.index_cast %parallel_loop3A_635 : i32 to index
        %parallel_loop3A_638 = tpu.vector_load %arg8[%parallel_loop3A_636, %parallel_loop3A_637] {strides = array<i32>} : memref<16x512xi32, #tpu.memory_space<vmem>>, vector<16xi32>,
        %parallel_loop3A_639 = tpu.bitcast %parallel_loop3A_595 : vector<16xf32> -> vector<16xi32>
        %parallel_loop3A_640 = arith.constant 31 : i32
        %parallel_loop3A_641 = vector.broadcast %parallel_loop3A_640 : i32 to vector<16xi32>
        %parallel_loop3A_642 = arith.shli %parallel_loop3A_638, %parallel_loop3A_641 : vector<16xi32>
        %parallel_loop3A_643 = arith.xori %parallel_loop3A_639, %parallel_loop3A_642 : vector<16xi32>
        %parallel_loop3A_644 = tpu.bitcast %parallel_loop3A_643 : vector<16xi32> -> vector<16xf32>
        %parallel_loop3A_645 = arith.constant 1.000000e+00 : f32
        %parallel_loop3A_646 = vector.broadcast %parallel_loop3A_645 : f32 to vector<16xf32>
        %parallel_loop3A_647 = arith.addf %parallel_loop3A_646, %parallel_loop3A_644 : vector<16xf32>
        %parallel_loop3A_648 = tpu.bitcast %parallel_loop3A_647 : vector<16xf32> -> vector<16xi32>
        %parallel_loop3A_649 = arith.constant 9216 : i32
        %parallel_loop3A_650 = vector.broadcast %parallel_loop3A_649 : i32 to vector<16xi32>
        %parallel_loop3A_651 = arith.muli %parallel_loop3A_638, %parallel_loop3A_650 : vector<16xi32>
        %parallel_loop3A_652 = arith.constant 15 : i32
        %parallel_loop3A_653 = vector.broadcast %parallel_loop3A_652 : i32 to vector<16xi32>
        %parallel_loop3A_654 = arith.shrsi %parallel_loop3A_648, %parallel_loop3A_653 : vector<16xi32>
        %parallel_loop3A_655 = arith.constant 27328 : i32
        %parallel_loop3A_656 = vector.broadcast %parallel_loop3A_655 : i32 to vector<16xi32>
        %parallel_loop3A_657 = arith.subi %parallel_loop3A_654, %parallel_loop3A_656 : vector<16xi32>
        %parallel_loop3A_658 = arith.addi %parallel_loop3A_657, %parallel_loop3A_651 : vector<16xi32>
        %parallel_loop3A_659 = arith.constant 4 : i32
        %parallel_loop3A_660 = vector.broadcast %parallel_loop3A_659 : i32 to vector<16xi32>
        %parallel_loop3A_661 = arith.shli %parallel_loop3A_638, %parallel_loop3A_660 : vector<16xi32>
        %parallel_loop3A_662 = arith.addi %parallel_loop3A_661, %iota3A : vector<16xi32>
        %parallel_loop3A_663 = arith.maxsi %parallel_loop3A_658, %parallel_loop3A_662 : vector<16xi32>
        %parallel_loop3A_664 = arith.constant 9279 : i32
        %parallel_loop3A_665 = vector.broadcast %parallel_loop3A_664 : i32 to vector<16xi32>
        %parallel_loop3A_666 = arith.addi %parallel_loop3A_651, %parallel_loop3A_665 : vector<16xi32>
        %parallel_loop3A_667 = arith.minsi %parallel_loop3A_663, %parallel_loop3A_666 : vector<16xi32>
        tpu.vector_store_idx %arg11[%parallel_loop3A_667], %broadcast_in_dim3A_38 {add = true} : memref<18496xi32, #tpu.memory_space<vmem>>[vector<16xi32>], vector<16xi32>,
      } {sc.loop_unroll_factor = 4 : i64, sc.parallel_access}
      %add3A_542 = arith.constant 2 : i32
      %add3A_543 = arith.addi %add3A_522, %add3A_542 : i32
      %lt3A_544 = arith.constant 8 : i32
      %lt3A_545 = arith.cmpi slt, %add3A_543, %lt3A_544 : i32
      %convert_element_type3A_546 = arith.extui %lt3A_545 : i1 to i32
      %cond3A_547 = arith.constant 0 : i32
      %cond3A_548 = arith.cmpi ne, %convert_element_type3A_546, %cond3A_547 : i32
      scf.if %cond3A_548 {
        %add3A_550 = arith.constant 2 : i32
        %add3A_551 = arith.addi %add3A_522, %add3A_550 : i32
        %mul3A_552 = arith.constant 16 : i32
        %mul3A_553 = arith.muli %add3A_551, %mul3A_552 : i32
        %add3A_554 = arith.addi %mul3A_42, %mul3A_553 : i32
        %dma_start3A_555 = arith.constant 0 : i32
        %dma_start3A_556 = arith.constant 0 : i32
        %dma_start3A_557 = tpu.memref_slice %arg2[%add3A_30, %dma_start3A_555, %add3A_554, %dma_start3A_556] : memref<8x1x512x512xf32, #tpu.memory_space<hbm>> -> memref<1x1x16x512xf32, #tpu.memory_space<hbm>>
        %dma_start3A_558 = tpu.memref_squeeze %dma_start3A_557 : memref<1x1x16x512xf32, #tpu.memory_space<hbm>> -> memref<16x512xf32, #tpu.memory_space<hbm>>
        %dma_start3A_559 = arith.constant 0 : i32
        %dma_start3A_560 = tpu.memref_slice %arg2[%add3A_30, %dma_start3A_555, %add3A_554, %dma_start3A_559] : memref<8x1x512x512xf32, #tpu.memory_space<hbm>> -> memref<1x1x16x512xf32, #tpu.memory_space<hbm>>
        %dma_start3A_561 = tpu.memref_squeeze %dma_start3A_560 : memref<1x1x16x512xf32, #tpu.memory_space<hbm>> -> memref<16x512xf32, #tpu.memory_space<hbm>>
        tpu.enqueue_dma source(%dma_start3A_561 : memref<16x512xf32, #tpu.memory_space<hbm>>) target(%arg6 : memref<16x512xf32, #tpu.memory_space<vmem>>) target_semaphore(%arg10 : memref<!tpu.dma_semaphore, #tpu.memory_space<semaphore_mem>>)
        %dma_start3A_562 = arith.constant 0 : i32
        %dma_start3A_563 = tpu.memref_slice %arg3[%add3A_30, %add3A_554, %dma_start3A_562] : memref<8x512x512xi32, #tpu.memory_space<hbm>> -> memref<1x16x512xi32, #tpu.memory_space<hbm>>
        %dma_start3A_564 = tpu.memref_squeeze %dma_start3A_563 : memref<1x16x512xi32, #tpu.memory_space<hbm>> -> memref<16x512xi32, #tpu.memory_space<hbm>>
        %dma_start3A_565 = arith.constant 0 : i32
        %dma_start3A_566 = tpu.memref_slice %arg3[%add3A_30, %add3A_554, %dma_start3A_565] : memref<8x512x512xi32, #tpu.memory_space<hbm>> -> memref<1x16x512xi32, #tpu.memory_space<hbm>>
        %dma_start3A_567 = tpu.memref_squeeze %dma_start3A_566 : memref<1x16x512xi32, #tpu.memory_space<hbm>> -> memref<16x512xi32, #tpu.memory_space<hbm>>
        tpu.enqueue_dma source(%dma_start3A_567 : memref<16x512xi32, #tpu.memory_space<hbm>>) target(%arg8 : memref<16x512xi32, #tpu.memory_space<vmem>>) target_semaphore(%arg10 : memref<!tpu.dma_semaphore, #tpu.memory_space<semaphore_mem>>)
      } else {
      }
      %scan3A_549 = arith.constant 0 : i32
      scf.yield %scan3A_549 : i32
    }
    %scan3A_77 = arith.constant 4 : i32
    %get3A = arith.constant 16 : index
    %get3A_78 = tpu.vector_load %arg11[%get3A] {strides = array<i32>} : memref<18496xi32, #tpu.memory_space<vmem>>, vector<16xi32>,
    %mul3A_79 = arith.constant 18496 : i32
    %mul3A_80 = arith.muli %arg1, %mul3A_79 : i32
    %add3A_81 = arith.constant 0 : i32
    %add3A_82 = arith.addi %mul3A_80, %add3A_81 : i32
    %dma_start3A_83 = arith.constant 0 : i32
    %dma_start3A_84 = tpu.memref_slice %arg11[%dma_start3A_83] : memref<18496xi32, #tpu.memory_space<vmem>> -> memref<4624xi32, #tpu.memory_space<vmem>>
    %dma_start3A_85 = tpu.memref_slice %arg21[%add3A_82] : memref<295936xi32, #tpu.memory_space<vmem_shared>> -> memref<4624xi32, #tpu.memory_space<vmem_shared>>
    %dma_start3A_86 = tpu.memref_slice %arg21[%add3A_82] : memref<295936xi32, #tpu.memory_space<vmem_shared>> -> memref<4624xi32, #tpu.memory_space<vmem_shared>>
    %dma_start3A_87 = arith.constant 0 : i32
    %dma_start3A_88 = tpu.memref_slice %arg11[%dma_start3A_87] : memref<18496xi32, #tpu.memory_space<vmem>> -> memref<4624xi32, #tpu.memory_space<vmem>>
    tpu.enqueue_dma source(%dma_start3A_88 : memref<4624xi32, #tpu.memory_space<vmem>>) target(%dma_start3A_86 : memref<4624xi32, #tpu.memory_space<vmem_shared>>) target_semaphore(%arg10 : memref<!tpu.dma_semaphore, #tpu.memory_space<semaphore_mem>>)
    %mul3A_89 = arith.constant 18496 : i32
    %mul3A_90 = arith.muli %arg1, %mul3A_89 : i32
    %add3A_91 = arith.constant 4624 : i32
    %add3A_92 = arith.addi %mul3A_90, %add3A_91 : i32
    %dma_start3A_93 = arith.constant 4624 : i32
    %dma_start3A_94 = tpu.memref_slice %arg11[%dma_start3A_93] : memref<18496xi32, #tpu.memory_space<vmem>> -> memref<4624xi32, #tpu.memory_space<vmem>>
    %dma_start3A_95 = tpu.memref_slice %arg21[%add3A_92] : memref<295936xi32, #tpu.memory_space<vmem_shared>> -> memref<4624xi32, #tpu.memory_space<vmem_shared>>
    %dma_start3A_96 = tpu.memref_slice %arg21[%add3A_92] : memref<295936xi32, #tpu.memory_space<vmem_shared>> -> memref<4624xi32, #tpu.memory_space<vmem_shared>>
    %dma_start3A_97 = arith.constant 4624 : i32
    %dma_start3A_98 = tpu.memref_slice %arg11[%dma_start3A_97] : memref<18496xi32, #tpu.memory_space<vmem>> -> memref<4624xi32, #tpu.memory_space<vmem>>
    tpu.enqueue_dma source(%dma_start3A_98 : memref<4624xi32, #tpu.memory_space<vmem>>) target(%dma_start3A_96 : memref<4624xi32, #tpu.memory_space<vmem_shared>>) target_semaphore(%arg10 : memref<!tpu.dma_semaphore, #tpu.memory_space<semaphore_mem>>)
    %mul3A_99 = arith.constant 18496 : i32
    %mul3A_100 = arith.muli %arg1, %mul3A_99 : i32
    %add3A_101 = arith.constant 9248 : i32
    %add3A_102 = arith.addi %mul3A_100, %add3A_101 : i32
    %dma_start3A_103 = arith.constant 9248 : i32
    %dma_start3A_104 = tpu.memref_slice %arg11[%dma_start3A_103] : memref<18496xi32, #tpu.memory_space<vmem>> -> memref<4624xi32, #tpu.memory_space<vmem>>
    %dma_start3A_105 = tpu.memref_slice %arg21[%add3A_102] : memref<295936xi32, #tpu.memory_space<vmem_shared>> -> memref<4624xi32, #tpu.memory_space<vmem_shared>>
    %dma_start3A_106 = tpu.memref_slice %arg21[%add3A_102] : memref<295936xi32, #tpu.memory_space<vmem_shared>> -> memref<4624xi32, #tpu.memory_space<vmem_shared>>
    %dma_start3A_107 = arith.constant 9248 : i32
    %dma_start3A_108 = tpu.memref_slice %arg11[%dma_start3A_107] : memref<18496xi32, #tpu.memory_space<vmem>> -> memref<4624xi32, #tpu.memory_space<vmem>>
    tpu.enqueue_dma source(%dma_start3A_108 : memref<4624xi32, #tpu.memory_space<vmem>>) target(%dma_start3A_106 : memref<4624xi32, #tpu.memory_space<vmem_shared>>) target_semaphore(%arg10 : memref<!tpu.dma_semaphore, #tpu.memory_space<semaphore_mem>>)
    %mul3A_109 = arith.constant 18496 : i32
    %mul3A_110 = arith.muli %arg1, %mul3A_109 : i32
    %add3A_111 = arith.constant 13872 : i32
    %add3A_112 = arith.addi %mul3A_110, %add3A_111 : i32
    %dma_start3A_113 = arith.constant 13872 : i32
    %dma_start3A_114 = tpu.memref_slice %arg11[%dma_start3A_113] : memref<18496xi32, #tpu.memory_space<vmem>> -> memref<4624xi32, #tpu.memory_space<vmem>>
    %dma_start3A_115 = tpu.memref_slice %arg21[%add3A_112] : memref<295936xi32, #tpu.memory_space<vmem_shared>> -> memref<4624xi32, #tpu.memory_space<vmem_shared>>
    %dma_start3A_116 = tpu.memref_slice %arg21[%add3A_112] : memref<295936xi32, #tpu.memory_space<vmem_shared>> -> memref<4624xi32, #tpu.memory_space<vmem_shared>>
    %dma_start3A_117 = arith.constant 13872 : i32
    %dma_start3A_118 = tpu.memref_slice %arg11[%dma_start3A_117] : memref<18496xi32, #tpu.memory_space<vmem>> -> memref<4624xi32, #tpu.memory_space<vmem>>
    tpu.enqueue_dma source(%dma_start3A_118 : memref<4624xi32, #tpu.memory_space<vmem>>) target(%dma_start3A_116 : memref<4624xi32, #tpu.memory_space<vmem_shared>>) target_semaphore(%arg10 : memref<!tpu.dma_semaphore, #tpu.memory_space<semaphore_mem>>)
    %swap3A = arith.constant 0 : index
    %swap3A_119 = tpu.vector_load %arg19[%swap3A] {strides = array<i32>} : memref<16xi32, #tpu.memory_space<vmem>>, vector<16xi32>,
    tpu.vector_store %arg19[%swap3A], %get3A_78 {strides = array<i32>} : memref<16xi32, #tpu.memory_space<vmem>>, vector<16xi32>,
    %mul3A_120 = arith.constant 16 : i32
    %mul3A_121 = arith.muli %arg1, %mul3A_120 : i32
    %dma_start3A_122 = tpu.memref_slice %arg22[%mul3A_121] : memref<256xi32, #tpu.memory_space<vmem_shared>> -> memref<16xi32, #tpu.memory_space<vmem_shared>>
    %dma_start3A_123 = tpu.memref_slice %arg22[%mul3A_121] : memref<256xi32, #tpu.memory_space<vmem_shared>> -> memref<16xi32, #tpu.memory_space<vmem_shared>>
    tpu.enqueue_dma source(%arg19 : memref<16xi32, #tpu.memory_space<vmem>>) target(%dma_start3A_123 : memref<16xi32, #tpu.memory_space<vmem_shared>>) target_semaphore(%arg10 : memref<!tpu.dma_semaphore, #tpu.memory_space<semaphore_mem>>)
    %mul3A_124 = arith.constant 18496 : i32
    %mul3A_125 = arith.muli %arg1, %mul3A_124 : i32
    %add3A_126 = arith.constant 0 : i32
    %add3A_127 = arith.addi %mul3A_125, %add3A_126 : i32
    %dma_wait3A = arith.constant 0 : i32
    %dma_wait3A_128 = tpu.memref_slice %arg11[%dma_wait3A] : memref<18496xi32, #tpu.memory_space<vmem>> -> memref<4624xi32, #tpu.memory_space<vmem>>
    %dma_wait3A_129 = tpu.memref_slice %arg21[%add3A_127] : memref<295936xi32, #tpu.memory_space<vmem_shared>> -> memref<4624xi32, #tpu.memory_space<vmem_shared>>
    %dma_wait3A_130 = tpu.memref_slice %arg21[%add3A_127] : memref<295936xi32, #tpu.memory_space<vmem_shared>> -> memref<4624xi32, #tpu.memory_space<vmem_shared>>
    %dma_wait3A_131 = arith.constant 0 : i32
    %dma_wait3A_132 = tpu.memref_slice %arg11[%dma_wait3A_131] : memref<18496xi32, #tpu.memory_space<vmem>> -> memref<4624xi32, #tpu.memory_space<vmem>>
    tpu.wait_dma2 semaphore(%arg10 : memref<!tpu.dma_semaphore, #tpu.memory_space<semaphore_mem>>) src(%dma_wait3A_132 : memref<4624xi32, #tpu.memory_space<vmem>>) dst(%dma_wait3A_130 : memref<4624xi32, #tpu.memory_space<vmem_shared>>)
    %mul3A_133 = arith.constant 18496 : i32
    %mul3A_134 = arith.muli %arg1, %mul3A_133 : i32
    %add3A_135 = arith.constant 4624 : i32
    %add3A_136 = arith.addi %mul3A_134, %add3A_135 : i32
    %dma_wait3A_137 = arith.constant 4624 : i32
    %dma_wait3A_138 = tpu.memref_slice %arg11[%dma_wait3A_137] : memref<18496xi32, #tpu.memory_space<vmem>> -> memref<4624xi32, #tpu.memory_space<vmem>>
    %dma_wait3A_139 = tpu.memref_slice %arg21[%add3A_136] : memref<295936xi32, #tpu.memory_space<vmem_shared>> -> memref<4624xi32, #tpu.memory_space<vmem_shared>>
    %dma_wait3A_140 = tpu.memref_slice %arg21[%add3A_136] : memref<295936xi32, #tpu.memory_space<vmem_shared>> -> memref<4624xi32, #tpu.memory_space<vmem_shared>>
    %dma_wait3A_141 = arith.constant 4624 : i32
    %dma_wait3A_142 = tpu.memref_slice %arg11[%dma_wait3A_141] : memref<18496xi32, #tpu.memory_space<vmem>> -> memref<4624xi32, #tpu.memory_space<vmem>>
    tpu.wait_dma2 semaphore(%arg10 : memref<!tpu.dma_semaphore, #tpu.memory_space<semaphore_mem>>) src(%dma_wait3A_142 : memref<4624xi32, #tpu.memory_space<vmem>>) dst(%dma_wait3A_140 : memref<4624xi32, #tpu.memory_space<vmem_shared>>)
    %mul3A_143 = arith.constant 18496 : i32
    %mul3A_144 = arith.muli %arg1, %mul3A_143 : i32
    %add3A_145 = arith.constant 9248 : i32
    %add3A_146 = arith.addi %mul3A_144, %add3A_145 : i32
    %dma_wait3A_147 = arith.constant 9248 : i32
    %dma_wait3A_148 = tpu.memref_slice %arg11[%dma_wait3A_147] : memref<18496xi32, #tpu.memory_space<vmem>> -> memref<4624xi32, #tpu.memory_space<vmem>>
    %dma_wait3A_149 = tpu.memref_slice %arg21[%add3A_146] : memref<295936xi32, #tpu.memory_space<vmem_shared>> -> memref<4624xi32, #tpu.memory_space<vmem_shared>>
    %dma_wait3A_150 = tpu.memref_slice %arg21[%add3A_146] : memref<295936xi32, #tpu.memory_space<vmem_shared>> -> memref<4624xi32, #tpu.memory_space<vmem_shared>>
    %dma_wait3A_151 = arith.constant 9248 : i32
    %dma_wait3A_152 = tpu.memref_slice %arg11[%dma_wait3A_151] : memref<18496xi32, #tpu.memory_space<vmem>> -> memref<4624xi32, #tpu.memory_space<vmem>>
    tpu.wait_dma2 semaphore(%arg10 : memref<!tpu.dma_semaphore, #tpu.memory_space<semaphore_mem>>) src(%dma_wait3A_152 : memref<4624xi32, #tpu.memory_space<vmem>>) dst(%dma_wait3A_150 : memref<4624xi32, #tpu.memory_space<vmem_shared>>)
    %mul3A_153 = arith.constant 18496 : i32
    %mul3A_154 = arith.muli %arg1, %mul3A_153 : i32
    %add3A_155 = arith.constant 13872 : i32
    %add3A_156 = arith.addi %mul3A_154, %add3A_155 : i32
    %dma_wait3A_157 = arith.constant 13872 : i32
    %dma_wait3A_158 = tpu.memref_slice %arg11[%dma_wait3A_157] : memref<18496xi32, #tpu.memory_space<vmem>> -> memref<4624xi32, #tpu.memory_space<vmem>>
    %dma_wait3A_159 = tpu.memref_slice %arg21[%add3A_156] : memref<295936xi32, #tpu.memory_space<vmem_shared>> -> memref<4624xi32, #tpu.memory_space<vmem_shared>>
    %dma_wait3A_160 = tpu.memref_slice %arg21[%add3A_156] : memref<295936xi32, #tpu.memory_space<vmem_shared>> -> memref<4624xi32, #tpu.memory_space<vmem_shared>>
    %dma_wait3A_161 = arith.constant 13872 : i32
    %dma_wait3A_162 = tpu.memref_slice %arg11[%dma_wait3A_161] : memref<18496xi32, #tpu.memory_space<vmem>> -> memref<4624xi32, #tpu.memory_space<vmem>>
    tpu.wait_dma2 semaphore(%arg10 : memref<!tpu.dma_semaphore, #tpu.memory_space<semaphore_mem>>) src(%dma_wait3A_162 : memref<4624xi32, #tpu.memory_space<vmem>>) dst(%dma_wait3A_160 : memref<4624xi32, #tpu.memory_space<vmem_shared>>)
    %mul3A_163 = arith.constant 16 : i32
    %mul3A_164 = arith.muli %arg1, %mul3A_163 : i32
    %dma_wait3A_165 = tpu.memref_slice %arg22[%mul3A_164] : memref<256xi32, #tpu.memory_space<vmem_shared>> -> memref<16xi32, #tpu.memory_space<vmem_shared>>
    %dma_wait3A_166 = tpu.memref_slice %arg22[%mul3A_164] : memref<256xi32, #tpu.memory_space<vmem_shared>> -> memref<16xi32, #tpu.memory_space<vmem_shared>>
    tpu.wait_dma2 semaphore(%arg10 : memref<!tpu.dma_semaphore, #tpu.memory_space<semaphore_mem>>) src(%arg19 : memref<16xi32, #tpu.memory_space<vmem>>) dst(%dma_wait3A_166 : memref<16xi32, #tpu.memory_space<vmem_shared>>)
    %barrier3A = arith.constant 0 : index
    tpu.barrier barrier_id(%barrier3A)
    %mul3A_167 = arith.constant 2304 : i32
    %mul3A_168 = arith.muli %select_n3A_28, %mul3A_167 : i32
    %add3A_169 = arith.constant 64 : i32
    %add3A_170 = arith.addi %add3A_169, %mul3A_168 : i32
    %mul3A_171 = arith.constant 4 : i32
    %mul3A_172 = arith.muli %select_n3A, %mul3A_171 : i32
    %add3A_173 = arith.constant 0 : i32
    %add3A_174 = arith.addi %mul3A_172, %add3A_173 : i32
    %mul3A_175 = arith.constant 18496 : i32
    %mul3A_176 = arith.muli %add3A_174, %mul3A_175 : i32
    %add3A_177 = arith.addi %mul3A_176, %add3A_170 : i32
    %dma_start3A_178 = tpu.memref_slice %arg21[%add3A_177] : memref<295936xi32, #tpu.memory_space<vmem_shared>> -> memref<2304xi32, #tpu.memory_space<vmem_shared>>
    %dma_start3A_179 = tpu.memref_slice %arg21[%add3A_177] : memref<295936xi32, #tpu.memory_space<vmem_shared>> -> memref<2304xi32, #tpu.memory_space<vmem_shared>>
    tpu.enqueue_dma source(%dma_start3A_179 : memref<2304xi32, #tpu.memory_space<vmem_shared>>) target(%arg14 : memref<2304xi32, #tpu.memory_space<vmem>>) target_semaphore(%arg9 : memref<!tpu.dma_semaphore, #tpu.memory_space<semaphore_mem>>)
    %mul3A_180 = arith.constant 4 : i32
    %mul3A_181 = arith.muli %select_n3A, %mul3A_180 : i32
    %add3A_182 = arith.constant 1 : i32
    %add3A_183 = arith.addi %mul3A_181, %add3A_182 : i32
    %mul3A_184 = arith.constant 18496 : i32
    %mul3A_185 = arith.muli %add3A_183, %mul3A_184 : i32
    %add3A_186 = arith.addi %mul3A_185, %add3A_170 : i32
    %dma_start3A_187 = tpu.memref_slice %arg21[%add3A_186] : memref<295936xi32, #tpu.memory_space<vmem_shared>> -> memref<2304xi32, #tpu.memory_space<vmem_shared>>
    %dma_start3A_188 = tpu.memref_slice %arg21[%add3A_186] : memref<295936xi32, #tpu.memory_space<vmem_shared>> -> memref<2304xi32, #tpu.memory_space<vmem_shared>>
    tpu.enqueue_dma source(%dma_start3A_188 : memref<2304xi32, #tpu.memory_space<vmem_shared>>) target(%arg15 : memref<2304xi32, #tpu.memory_space<vmem>>) target_semaphore(%arg9 : memref<!tpu.dma_semaphore, #tpu.memory_space<semaphore_mem>>)
    %mul3A_189 = arith.constant 4 : i32
    %mul3A_190 = arith.muli %select_n3A, %mul3A_189 : i32
    %add3A_191 = arith.constant 2 : i32
    %add3A_192 = arith.addi %mul3A_190, %add3A_191 : i32
    %mul3A_193 = arith.constant 18496 : i32
    %mul3A_194 = arith.muli %add3A_192, %mul3A_193 : i32
    %add3A_195 = arith.addi %mul3A_194, %add3A_170 : i32
    %dma_start3A_196 = tpu.memref_slice %arg21[%add3A_195] : memref<295936xi32, #tpu.memory_space<vmem_shared>> -> memref<2304xi32, #tpu.memory_space<vmem_shared>>
    %dma_start3A_197 = tpu.memref_slice %arg21[%add3A_195] : memref<295936xi32, #tpu.memory_space<vmem_shared>> -> memref<2304xi32, #tpu.memory_space<vmem_shared>>
    tpu.enqueue_dma source(%dma_start3A_197 : memref<2304xi32, #tpu.memory_space<vmem_shared>>) target(%arg16 : memref<2304xi32, #tpu.memory_space<vmem>>) target_semaphore(%arg9 : memref<!tpu.dma_semaphore, #tpu.memory_space<semaphore_mem>>)
    %mul3A_198 = arith.constant 4 : i32
    %mul3A_199 = arith.muli %select_n3A, %mul3A_198 : i32
    %add3A_200 = arith.constant 3 : i32
    %add3A_201 = arith.addi %mul3A_199, %add3A_200 : i32
    %mul3A_202 = arith.constant 18496 : i32
    %mul3A_203 = arith.muli %add3A_201, %mul3A_202 : i32
    %add3A_204 = arith.addi %mul3A_203, %add3A_170 : i32
    %dma_start3A_205 = tpu.memref_slice %arg21[%add3A_204] : memref<295936xi32, #tpu.memory_space<vmem_shared>> -> memref<2304xi32, #tpu.memory_space<vmem_shared>>
    %dma_start3A_206 = tpu.memref_slice %arg21[%add3A_204] : memref<295936xi32, #tpu.memory_space<vmem_shared>> -> memref<2304xi32, #tpu.memory_space<vmem_shared>>
    tpu.enqueue_dma source(%dma_start3A_206 : memref<2304xi32, #tpu.memory_space<vmem_shared>>) target(%arg17 : memref<2304xi32, #tpu.memory_space<vmem>>) target_semaphore(%arg9 : memref<!tpu.dma_semaphore, #tpu.memory_space<semaphore_mem>>)
    %mul3A_207 = arith.constant 4 : i32
    %mul3A_208 = arith.muli %select_n3A, %mul3A_207 : i32
    %add3A_209 = arith.constant 0 : i32
    %add3A_210 = arith.addi %mul3A_208, %add3A_209 : i32
    %mul3A_211 = arith.constant 18496 : i32
    %mul3A_212 = arith.muli %add3A_210, %mul3A_211 : i32
    %add3A_213 = arith.addi %mul3A_212, %add3A_170 : i32
    %dma_wait3A_214 = tpu.memref_slice %arg21[%add3A_213] : memref<295936xi32, #tpu.memory_space<vmem_shared>> -> memref<2304xi32, #tpu.memory_space<vmem_shared>>
    %dma_wait3A_215 = tpu.memref_slice %arg21[%add3A_213] : memref<295936xi32, #tpu.memory_space<vmem_shared>> -> memref<2304xi32, #tpu.memory_space<vmem_shared>>
    tpu.wait_dma2 semaphore(%arg9 : memref<!tpu.dma_semaphore, #tpu.memory_space<semaphore_mem>>) src(%dma_wait3A_215 : memref<2304xi32, #tpu.memory_space<vmem_shared>>) dst(%arg14 : memref<2304xi32, #tpu.memory_space<vmem>>)
    %mul3A_216 = arith.constant 4 : i32
    %mul3A_217 = arith.muli %select_n3A, %mul3A_216 : i32
    %add3A_218 = arith.constant 1 : i32
    %add3A_219 = arith.addi %mul3A_217, %add3A_218 : i32
    %mul3A_220 = arith.constant 18496 : i32
    %mul3A_221 = arith.muli %add3A_219, %mul3A_220 : i32
    %add3A_222 = arith.addi %mul3A_221, %add3A_170 : i32
    %dma_wait3A_223 = tpu.memref_slice %arg21[%add3A_222] : memref<295936xi32, #tpu.memory_space<vmem_shared>> -> memref<2304xi32, #tpu.memory_space<vmem_shared>>
    %dma_wait3A_224 = tpu.memref_slice %arg21[%add3A_222] : memref<295936xi32, #tpu.memory_space<vmem_shared>> -> memref<2304xi32, #tpu.memory_space<vmem_shared>>
    tpu.wait_dma2 semaphore(%arg9 : memref<!tpu.dma_semaphore, #tpu.memory_space<semaphore_mem>>) src(%dma_wait3A_224 : memref<2304xi32, #tpu.memory_space<vmem_shared>>) dst(%arg15 : memref<2304xi32, #tpu.memory_space<vmem>>)
    %mul3A_225 = arith.constant 4 : i32
    %mul3A_226 = arith.muli %select_n3A, %mul3A_225 : i32
    %add3A_227 = arith.constant 2 : i32
    %add3A_228 = arith.addi %mul3A_226, %add3A_227 : i32
    %mul3A_229 = arith.constant 18496 : i32
    %mul3A_230 = arith.muli %add3A_228, %mul3A_229 : i32
    %add3A_231 = arith.addi %mul3A_230, %add3A_170 : i32
    %dma_wait3A_232 = tpu.memref_slice %arg21[%add3A_231] : memref<295936xi32, #tpu.memory_space<vmem_shared>> -> memref<2304xi32, #tpu.memory_space<vmem_shared>>
    %dma_wait3A_233 = tpu.memref_slice %arg21[%add3A_231] : memref<295936xi32, #tpu.memory_space<vmem_shared>> -> memref<2304xi32, #tpu.memory_space<vmem_shared>>
    tpu.wait_dma2 semaphore(%arg9 : memref<!tpu.dma_semaphore, #tpu.memory_space<semaphore_mem>>) src(%dma_wait3A_233 : memref<2304xi32, #tpu.memory_space<vmem_shared>>) dst(%arg16 : memref<2304xi32, #tpu.memory_space<vmem>>)
    %mul3A_234 = arith.constant 4 : i32
    %mul3A_235 = arith.muli %select_n3A, %mul3A_234 : i32
    %add3A_236 = arith.constant 3 : i32
    %add3A_237 = arith.addi %mul3A_235, %add3A_236 : i32
    %mul3A_238 = arith.constant 18496 : i32
    %mul3A_239 = arith.muli %add3A_237, %mul3A_238 : i32
    %add3A_240 = arith.addi %mul3A_239, %add3A_170 : i32
    %dma_wait3A_241 = tpu.memref_slice %arg21[%add3A_240] : memref<295936xi32, #tpu.memory_space<vmem_shared>> -> memref<2304xi32, #tpu.memory_space<vmem_shared>>
    %dma_wait3A_242 = tpu.memref_slice %arg21[%add3A_240] : memref<295936xi32, #tpu.memory_space<vmem_shared>> -> memref<2304xi32, #tpu.memory_space<vmem_shared>>
    tpu.wait_dma2 semaphore(%arg9 : memref<!tpu.dma_semaphore, #tpu.memory_space<semaphore_mem>>) src(%dma_wait3A_242 : memref<2304xi32, #tpu.memory_space<vmem_shared>>) dst(%arg17 : memref<2304xi32, #tpu.memory_space<vmem>>)
    %parallel_loop3A_243 = arith.constant 0 : i32
    %parallel_loop3A_244 = arith.constant 144 : i32
    %parallel_loop3A_245 = arith.constant 1 : i32
    %parallel_loop3A_246 = scf.for %parallel_loop3A_488 = %parallel_loop3A_243 to %parallel_loop3A_244 step %parallel_loop3A_245 iter_args(%parallel_loop3A_489 = %broadcast_in_dim3A_36) -> (vector<16xi32>)  : i32 {
      %parallel_loop3A_490 = arith.constant 16 : i32
      %parallel_loop3A_491 = arith.muli %parallel_loop3A_488, %parallel_loop3A_490 : i32
      %parallel_loop3A_492 = arith.index_cast %parallel_loop3A_491 : i32 to index
      %parallel_loop3A_493 = tpu.vector_load %arg14[%parallel_loop3A_492] {strides = array<i32>} : memref<2304xi32, #tpu.memory_space<vmem>>, vector<16xi32>,
      %parallel_loop3A_494 = arith.index_cast %parallel_loop3A_491 : i32 to index
      %parallel_loop3A_495 = tpu.vector_load %arg15[%parallel_loop3A_494] {strides = array<i32>} : memref<2304xi32, #tpu.memory_space<vmem>>, vector<16xi32>,
      %parallel_loop3A_496 = arith.addi %parallel_loop3A_493, %parallel_loop3A_495 : vector<16xi32>
      %parallel_loop3A_497 = arith.index_cast %parallel_loop3A_491 : i32 to index
      %parallel_loop3A_498 = tpu.vector_load %arg16[%parallel_loop3A_497] {strides = array<i32>} : memref<2304xi32, #tpu.memory_space<vmem>>, vector<16xi32>,
      %parallel_loop3A_499 = arith.index_cast %parallel_loop3A_491 : i32 to index
      %parallel_loop3A_500 = tpu.vector_load %arg17[%parallel_loop3A_499] {strides = array<i32>} : memref<2304xi32, #tpu.memory_space<vmem>>, vector<16xi32>,
      %parallel_loop3A_501 = arith.addi %parallel_loop3A_498, %parallel_loop3A_500 : vector<16xi32>
      %parallel_loop3A_502 = arith.addi %parallel_loop3A_496, %parallel_loop3A_501 : vector<16xi32>
      %parallel_loop3A_503 = arith.index_cast %parallel_loop3A_491 : i32 to index
      %parallel_loop3A_504 = tpu.vector_load %arg12[%parallel_loop3A_503] {strides = array<i32>} : memref<2304xi32, #tpu.memory_space<vmem>>, vector<16xi32>,
      tpu.vector_store %arg12[%parallel_loop3A_503], %parallel_loop3A_502 {strides = array<i32>} : memref<2304xi32, #tpu.memory_space<vmem>>, vector<16xi32>,
      %parallel_loop3A_505 = arith.addi %parallel_loop3A_489, %parallel_loop3A_502 : vector<16xi32>
      scf.yield %parallel_loop3A_505 : vector<16xi32>
    } {sc.loop_unroll_factor = 4 : i64, sc.parallel_access}
    %mul3A_247 = arith.constant 2304 : i32
    %mul3A_248 = arith.muli %select_n3A_28, %mul3A_247 : i32
    %add3A_249 = arith.constant 9280 : i32
    %add3A_250 = arith.addi %add3A_249, %mul3A_248 : i32
    %mul3A_251 = arith.constant 4 : i32
    %mul3A_252 = arith.muli %select_n3A, %mul3A_251 : i32
    %add3A_253 = arith.constant 0 : i32
    %add3A_254 = arith.addi %mul3A_252, %add3A_253 : i32
    %mul3A_255 = arith.constant 18496 : i32
    %mul3A_256 = arith.muli %add3A_254, %mul3A_255 : i32
    %add3A_257 = arith.addi %mul3A_256, %add3A_250 : i32
    %dma_start3A_258 = tpu.memref_slice %arg21[%add3A_257] : memref<295936xi32, #tpu.memory_space<vmem_shared>> -> memref<2304xi32, #tpu.memory_space<vmem_shared>>
    %dma_start3A_259 = tpu.memref_slice %arg21[%add3A_257] : memref<295936xi32, #tpu.memory_space<vmem_shared>> -> memref<2304xi32, #tpu.memory_space<vmem_shared>>
    tpu.enqueue_dma source(%dma_start3A_259 : memref<2304xi32, #tpu.memory_space<vmem_shared>>) target(%arg14 : memref<2304xi32, #tpu.memory_space<vmem>>) target_semaphore(%arg9 : memref<!tpu.dma_semaphore, #tpu.memory_space<semaphore_mem>>)
    %mul3A_260 = arith.constant 4 : i32
    %mul3A_261 = arith.muli %select_n3A, %mul3A_260 : i32
    %add3A_262 = arith.constant 1 : i32
    %add3A_263 = arith.addi %mul3A_261, %add3A_262 : i32
    %mul3A_264 = arith.constant 18496 : i32
    %mul3A_265 = arith.muli %add3A_263, %mul3A_264 : i32
    %add3A_266 = arith.addi %mul3A_265, %add3A_250 : i32
    %dma_start3A_267 = tpu.memref_slice %arg21[%add3A_266] : memref<295936xi32, #tpu.memory_space<vmem_shared>> -> memref<2304xi32, #tpu.memory_space<vmem_shared>>
    %dma_start3A_268 = tpu.memref_slice %arg21[%add3A_266] : memref<295936xi32, #tpu.memory_space<vmem_shared>> -> memref<2304xi32, #tpu.memory_space<vmem_shared>>
    tpu.enqueue_dma source(%dma_start3A_268 : memref<2304xi32, #tpu.memory_space<vmem_shared>>) target(%arg15 : memref<2304xi32, #tpu.memory_space<vmem>>) target_semaphore(%arg9 : memref<!tpu.dma_semaphore, #tpu.memory_space<semaphore_mem>>)
    %mul3A_269 = arith.constant 4 : i32
    %mul3A_270 = arith.muli %select_n3A, %mul3A_269 : i32
    %add3A_271 = arith.constant 2 : i32
    %add3A_272 = arith.addi %mul3A_270, %add3A_271 : i32
    %mul3A_273 = arith.constant 18496 : i32
    %mul3A_274 = arith.muli %add3A_272, %mul3A_273 : i32
    %add3A_275 = arith.addi %mul3A_274, %add3A_250 : i32
    %dma_start3A_276 = tpu.memref_slice %arg21[%add3A_275] : memref<295936xi32, #tpu.memory_space<vmem_shared>> -> memref<2304xi32, #tpu.memory_space<vmem_shared>>
    %dma_start3A_277 = tpu.memref_slice %arg21[%add3A_275] : memref<295936xi32, #tpu.memory_space<vmem_shared>> -> memref<2304xi32, #tpu.memory_space<vmem_shared>>
    tpu.enqueue_dma source(%dma_start3A_277 : memref<2304xi32, #tpu.memory_space<vmem_shared>>) target(%arg16 : memref<2304xi32, #tpu.memory_space<vmem>>) target_semaphore(%arg9 : memref<!tpu.dma_semaphore, #tpu.memory_space<semaphore_mem>>)
    %mul3A_278 = arith.constant 4 : i32
    %mul3A_279 = arith.muli %select_n3A, %mul3A_278 : i32
    %add3A_280 = arith.constant 3 : i32
    %add3A_281 = arith.addi %mul3A_279, %add3A_280 : i32
    %mul3A_282 = arith.constant 18496 : i32
    %mul3A_283 = arith.muli %add3A_281, %mul3A_282 : i32
    %add3A_284 = arith.addi %mul3A_283, %add3A_250 : i32
    %dma_start3A_285 = tpu.memref_slice %arg21[%add3A_284] : memref<295936xi32, #tpu.memory_space<vmem_shared>> -> memref<2304xi32, #tpu.memory_space<vmem_shared>>
    %dma_start3A_286 = tpu.memref_slice %arg21[%add3A_284] : memref<295936xi32, #tpu.memory_space<vmem_shared>> -> memref<2304xi32, #tpu.memory_space<vmem_shared>>
    tpu.enqueue_dma source(%dma_start3A_286 : memref<2304xi32, #tpu.memory_space<vmem_shared>>) target(%arg17 : memref<2304xi32, #tpu.memory_space<vmem>>) target_semaphore(%arg9 : memref<!tpu.dma_semaphore, #tpu.memory_space<semaphore_mem>>)
    %mul3A_287 = arith.constant 4 : i32
    %mul3A_288 = arith.muli %select_n3A, %mul3A_287 : i32
    %add3A_289 = arith.constant 0 : i32
    %add3A_290 = arith.addi %mul3A_288, %add3A_289 : i32
    %mul3A_291 = arith.constant 18496 : i32
    %mul3A_292 = arith.muli %add3A_290, %mul3A_291 : i32
    %add3A_293 = arith.addi %mul3A_292, %add3A_250 : i32
    %dma_wait3A_294 = tpu.memref_slice %arg21[%add3A_293] : memref<295936xi32, #tpu.memory_space<vmem_shared>> -> memref<2304xi32, #tpu.memory_space<vmem_shared>>
    %dma_wait3A_295 = tpu.memref_slice %arg21[%add3A_293] : memref<295936xi32, #tpu.memory_space<vmem_shared>> -> memref<2304xi32, #tpu.memory_space<vmem_shared>>
    tpu.wait_dma2 semaphore(%arg9 : memref<!tpu.dma_semaphore, #tpu.memory_space<semaphore_mem>>) src(%dma_wait3A_295 : memref<2304xi32, #tpu.memory_space<vmem_shared>>) dst(%arg14 : memref<2304xi32, #tpu.memory_space<vmem>>)
    %mul3A_296 = arith.constant 4 : i32
    %mul3A_297 = arith.muli %select_n3A, %mul3A_296 : i32
    %add3A_298 = arith.constant 1 : i32
    %add3A_299 = arith.addi %mul3A_297, %add3A_298 : i32
    %mul3A_300 = arith.constant 18496 : i32
    %mul3A_301 = arith.muli %add3A_299, %mul3A_300 : i32
    %add3A_302 = arith.addi %mul3A_301, %add3A_250 : i32
    %dma_wait3A_303 = tpu.memref_slice %arg21[%add3A_302] : memref<295936xi32, #tpu.memory_space<vmem_shared>> -> memref<2304xi32, #tpu.memory_space<vmem_shared>>
    %dma_wait3A_304 = tpu.memref_slice %arg21[%add3A_302] : memref<295936xi32, #tpu.memory_space<vmem_shared>> -> memref<2304xi32, #tpu.memory_space<vmem_shared>>
    tpu.wait_dma2 semaphore(%arg9 : memref<!tpu.dma_semaphore, #tpu.memory_space<semaphore_mem>>) src(%dma_wait3A_304 : memref<2304xi32, #tpu.memory_space<vmem_shared>>) dst(%arg15 : memref<2304xi32, #tpu.memory_space<vmem>>)
    %mul3A_305 = arith.constant 4 : i32
    %mul3A_306 = arith.muli %select_n3A, %mul3A_305 : i32
    %add3A_307 = arith.constant 2 : i32
    %add3A_308 = arith.addi %mul3A_306, %add3A_307 : i32
    %mul3A_309 = arith.constant 18496 : i32
    %mul3A_310 = arith.muli %add3A_308, %mul3A_309 : i32
    %add3A_311 = arith.addi %mul3A_310, %add3A_250 : i32
    %dma_wait3A_312 = tpu.memref_slice %arg21[%add3A_311] : memref<295936xi32, #tpu.memory_space<vmem_shared>> -> memref<2304xi32, #tpu.memory_space<vmem_shared>>
    %dma_wait3A_313 = tpu.memref_slice %arg21[%add3A_311] : memref<295936xi32, #tpu.memory_space<vmem_shared>> -> memref<2304xi32, #tpu.memory_space<vmem_shared>>
    tpu.wait_dma2 semaphore(%arg9 : memref<!tpu.dma_semaphore, #tpu.memory_space<semaphore_mem>>) src(%dma_wait3A_313 : memref<2304xi32, #tpu.memory_space<vmem_shared>>) dst(%arg16 : memref<2304xi32, #tpu.memory_space<vmem>>)
    %mul3A_314 = arith.constant 4 : i32
    %mul3A_315 = arith.muli %select_n3A, %mul3A_314 : i32
    %add3A_316 = arith.constant 3 : i32
    %add3A_317 = arith.addi %mul3A_315, %add3A_316 : i32
    %mul3A_318 = arith.constant 18496 : i32
    %mul3A_319 = arith.muli %add3A_317, %mul3A_318 : i32
    %add3A_320 = arith.addi %mul3A_319, %add3A_250 : i32
    %dma_wait3A_321 = tpu.memref_slice %arg21[%add3A_320] : memref<295936xi32, #tpu.memory_space<vmem_shared>> -> memref<2304xi32, #tpu.memory_space<vmem_shared>>
    %dma_wait3A_322 = tpu.memref_slice %arg21[%add3A_320] : memref<295936xi32, #tpu.memory_space<vmem_shared>> -> memref<2304xi32, #tpu.memory_space<vmem_shared>>
    tpu.wait_dma2 semaphore(%arg9 : memref<!tpu.dma_semaphore, #tpu.memory_space<semaphore_mem>>) src(%dma_wait3A_322 : memref<2304xi32, #tpu.memory_space<vmem_shared>>) dst(%arg17 : memref<2304xi32, #tpu.memory_space<vmem>>)
    %parallel_loop3A_323 = arith.constant 0 : i32
    %parallel_loop3A_324 = arith.constant 144 : i32
    %parallel_loop3A_325 = arith.constant 1 : i32
    %parallel_loop3A_326 = scf.for %parallel_loop3A_488 = %parallel_loop3A_323 to %parallel_loop3A_324 step %parallel_loop3A_325 iter_args(%parallel_loop3A_489 = %broadcast_in_dim3A_36) -> (vector<16xi32>)  : i32 {
      %parallel_loop3A_490 = arith.constant 16 : i32
      %parallel_loop3A_491 = arith.muli %parallel_loop3A_488, %parallel_loop3A_490 : i32
      %parallel_loop3A_492 = arith.index_cast %parallel_loop3A_491 : i32 to index
      %parallel_loop3A_493 = tpu.vector_load %arg14[%parallel_loop3A_492] {strides = array<i32>} : memref<2304xi32, #tpu.memory_space<vmem>>, vector<16xi32>,
      %parallel_loop3A_494 = arith.index_cast %parallel_loop3A_491 : i32 to index
      %parallel_loop3A_495 = tpu.vector_load %arg15[%parallel_loop3A_494] {strides = array<i32>} : memref<2304xi32, #tpu.memory_space<vmem>>, vector<16xi32>,
      %parallel_loop3A_496 = arith.addi %parallel_loop3A_493, %parallel_loop3A_495 : vector<16xi32>
      %parallel_loop3A_497 = arith.index_cast %parallel_loop3A_491 : i32 to index
      %parallel_loop3A_498 = tpu.vector_load %arg16[%parallel_loop3A_497] {strides = array<i32>} : memref<2304xi32, #tpu.memory_space<vmem>>, vector<16xi32>,
      %parallel_loop3A_499 = arith.index_cast %parallel_loop3A_491 : i32 to index
      %parallel_loop3A_500 = tpu.vector_load %arg17[%parallel_loop3A_499] {strides = array<i32>} : memref<2304xi32, #tpu.memory_space<vmem>>, vector<16xi32>,
      %parallel_loop3A_501 = arith.addi %parallel_loop3A_498, %parallel_loop3A_500 : vector<16xi32>
      %parallel_loop3A_502 = arith.addi %parallel_loop3A_496, %parallel_loop3A_501 : vector<16xi32>
      %parallel_loop3A_503 = arith.index_cast %parallel_loop3A_491 : i32 to index
      %parallel_loop3A_504 = tpu.vector_load %arg13[%parallel_loop3A_503] {strides = array<i32>} : memref<2304xi32, #tpu.memory_space<vmem>>, vector<16xi32>,
      tpu.vector_store %arg13[%parallel_loop3A_503], %parallel_loop3A_502 {strides = array<i32>} : memref<2304xi32, #tpu.memory_space<vmem>>, vector<16xi32>,
      %parallel_loop3A_505 = arith.addi %parallel_loop3A_489, %parallel_loop3A_502 : vector<16xi32>
      scf.yield %parallel_loop3A_505 : vector<16xi32>
    } {sc.loop_unroll_factor = 4 : i64, sc.parallel_access}
    %swap3A_327 = arith.constant 0 : index
    %swap3A_328 = tpu.vector_load %arg19[%swap3A_327] {strides = array<i32>} : memref<16xi32, #tpu.memory_space<vmem>>, vector<16xi32>,
    tpu.vector_store %arg19[%swap3A_327], %parallel_loop3A_246 {strides = array<i32>} : memref<16xi32, #tpu.memory_space<vmem>>, vector<16xi32>,
    %mul3A_329 = arith.constant 16 : i32
    %mul3A_330 = arith.muli %arg1, %mul3A_329 : i32
    "tpu.region"() ({
      %run_scoped3A = tpu.sem_alloc : memref<!tpu.dma_semaphore, #tpu.memory_space<semaphore_mem>>
      %dma_start3A_488 = tpu.memref_slice %arg23[%mul3A_330] : memref<256xi32, #tpu.memory_space<vmem_shared>> -> memref<16xi32, #tpu.memory_space<vmem_shared>>
      %dma_start3A_489 = tpu.memref_slice %arg23[%mul3A_330] : memref<256xi32, #tpu.memory_space<vmem_shared>> -> memref<16xi32, #tpu.memory_space<vmem_shared>>
      tpu.enqueue_dma source(%arg19 : memref<16xi32, #tpu.memory_space<vmem>>) target(%dma_start3A_489 : memref<16xi32, #tpu.memory_space<vmem_shared>>) target_semaphore(%run_scoped3A : memref<!tpu.dma_semaphore, #tpu.memory_space<semaphore_mem>>)
      %dma_wait3A_490 = tpu.memref_slice %arg23[%mul3A_330] : memref<256xi32, #tpu.memory_space<vmem_shared>> -> memref<16xi32, #tpu.memory_space<vmem_shared>>
      %dma_wait3A_491 = tpu.memref_slice %arg23[%mul3A_330] : memref<256xi32, #tpu.memory_space<vmem_shared>> -> memref<16xi32, #tpu.memory_space<vmem_shared>>
      tpu.wait_dma2 semaphore(%run_scoped3A : memref<!tpu.dma_semaphore, #tpu.memory_space<semaphore_mem>>) src(%arg19 : memref<16xi32, #tpu.memory_space<vmem>>) dst(%dma_wait3A_491 : memref<16xi32, #tpu.memory_space<vmem_shared>>)
      tpu.yield
    }) : () -> ()
    %swap3A_331 = arith.constant 0 : index
    %swap3A_332 = tpu.vector_load %arg19[%swap3A_331] {strides = array<i32>} : memref<16xi32, #tpu.memory_space<vmem>>, vector<16xi32>,
    tpu.vector_store %arg19[%swap3A_331], %parallel_loop3A_326 {strides = array<i32>} : memref<16xi32, #tpu.memory_space<vmem>>, vector<16xi32>,
    %mul3A_333 = arith.constant 16 : i32
    %mul3A_334 = arith.muli %arg1, %mul3A_333 : i32
    "tpu.region"() ({
      %run_scoped3A = tpu.sem_alloc : memref<!tpu.dma_semaphore, #tpu.memory_space<semaphore_mem>>
      %dma_start3A_488 = tpu.memref_slice %arg24[%mul3A_334] : memref<256xi32, #tpu.memory_space<vmem_shared>> -> memref<16xi32, #tpu.memory_space<vmem_shared>>
      %dma_start3A_489 = tpu.memref_slice %arg24[%mul3A_334] : memref<256xi32, #tpu.memory_space<vmem_shared>> -> memref<16xi32, #tpu.memory_space<vmem_shared>>
      tpu.enqueue_dma source(%arg19 : memref<16xi32, #tpu.memory_space<vmem>>) target(%dma_start3A_489 : memref<16xi32, #tpu.memory_space<vmem_shared>>) target_semaphore(%run_scoped3A : memref<!tpu.dma_semaphore, #tpu.memory_space<semaphore_mem>>)
      %dma_wait3A_490 = tpu.memref_slice %arg24[%mul3A_334] : memref<256xi32, #tpu.memory_space<vmem_shared>> -> memref<16xi32, #tpu.memory_space<vmem_shared>>
      %dma_wait3A_491 = tpu.memref_slice %arg24[%mul3A_334] : memref<256xi32, #tpu.memory_space<vmem_shared>> -> memref<16xi32, #tpu.memory_space<vmem_shared>>
      tpu.wait_dma2 semaphore(%run_scoped3A : memref<!tpu.dma_semaphore, #tpu.memory_space<semaphore_mem>>) src(%arg19 : memref<16xi32, #tpu.memory_space<vmem>>) dst(%dma_wait3A_491 : memref<16xi32, #tpu.memory_space<vmem_shared>>)
      tpu.yield
    }) : () -> ()
    %barrier3A_335 = arith.constant 0 : index
    tpu.barrier barrier_id(%barrier3A_335)
    %mul3A_336 = arith.constant 4 : i32
    %mul3A_337 = arith.muli %select_n3A, %mul3A_336 : i32
    %mul3A_338 = arith.constant 16 : i32
    %mul3A_339 = arith.muli %mul3A_337, %mul3A_338 : i32
    "tpu.region"() ({
      %run_scoped3A = tpu.sem_alloc : memref<!tpu.dma_semaphore, #tpu.memory_space<semaphore_mem>>
      %dma_start3A_488 = tpu.memref_slice %arg22[%mul3A_339] : memref<256xi32, #tpu.memory_space<vmem_shared>> -> memref<64xi32, #tpu.memory_space<vmem_shared>>
      %dma_start3A_489 = tpu.memref_slice %arg22[%mul3A_339] : memref<256xi32, #tpu.memory_space<vmem_shared>> -> memref<64xi32, #tpu.memory_space<vmem_shared>>
      tpu.enqueue_dma source(%dma_start3A_489 : memref<64xi32, #tpu.memory_space<vmem_shared>>) target(%arg20 : memref<64xi32, #tpu.memory_space<vmem>>) target_semaphore(%run_scoped3A : memref<!tpu.dma_semaphore, #tpu.memory_space<semaphore_mem>>)
      %dma_wait3A_490 = tpu.memref_slice %arg22[%mul3A_339] : memref<256xi32, #tpu.memory_space<vmem_shared>> -> memref<64xi32, #tpu.memory_space<vmem_shared>>
      %dma_wait3A_491 = tpu.memref_slice %arg22[%mul3A_339] : memref<256xi32, #tpu.memory_space<vmem_shared>> -> memref<64xi32, #tpu.memory_space<vmem_shared>>
      tpu.wait_dma2 semaphore(%run_scoped3A : memref<!tpu.dma_semaphore, #tpu.memory_space<semaphore_mem>>) src(%dma_wait3A_491 : memref<64xi32, #tpu.memory_space<vmem_shared>>) dst(%arg20 : memref<64xi32, #tpu.memory_space<vmem>>)
      tpu.yield
    }) : () -> ()
    %get3A_340 = arith.constant 0 : index
    %get3A_341 = tpu.vector_load %arg20[%get3A_340] {strides = array<i32>} : memref<64xi32, #tpu.memory_space<vmem>>, vector<16xi32>,
    %get3A_342 = arith.constant 16 : index
    %get3A_343 = tpu.vector_load %arg20[%get3A_342] {strides = array<i32>} : memref<64xi32, #tpu.memory_space<vmem>>, vector<16xi32>,
    %add3A_344 = arith.addi %get3A_341, %get3A_343 : vector<16xi32>
    %get3A_345 = arith.constant 32 : index
    %get3A_346 = tpu.vector_load %arg20[%get3A_345] {strides = array<i32>} : memref<64xi32, #tpu.memory_space<vmem>>, vector<16xi32>,
    %add3A_347 = arith.addi %add3A_344, %get3A_346 : vector<16xi32>
    %get3A_348 = arith.constant 48 : index
    %get3A_349 = tpu.vector_load %arg20[%get3A_348] {strides = array<i32>} : memref<64xi32, #tpu.memory_space<vmem>>, vector<16xi32>,
    %add3A_350 = arith.addi %add3A_347, %get3A_349 : vector<16xi32>
    %reduce_sum3A = arith.constant true
    %reduce_sum3A_351 = vector.broadcast %reduce_sum3A : i1 to vector<16xi1>
    %reduce_sum3A_352 = tpu.scan <sum>, %add3A_350 masked %reduce_sum3A_351 : vector<16xi32>, vector<16xi1> -> vector<16xi32>
    %reduce_sum3A_353 = vector.extract %reduce_sum3A_352[15] : i32 from vector<16xi32>
    "tpu.region"() ({
      %run_scoped3A = tpu.sem_alloc : memref<!tpu.dma_semaphore, #tpu.memory_space<semaphore_mem>>
      %dma_start3A_488 = tpu.memref_slice %arg23[%mul3A_339] : memref<256xi32, #tpu.memory_space<vmem_shared>> -> memref<64xi32, #tpu.memory_space<vmem_shared>>
      %dma_start3A_489 = tpu.memref_slice %arg23[%mul3A_339] : memref<256xi32, #tpu.memory_space<vmem_shared>> -> memref<64xi32, #tpu.memory_space<vmem_shared>>
      tpu.enqueue_dma source(%dma_start3A_489 : memref<64xi32, #tpu.memory_space<vmem_shared>>) target(%arg20 : memref<64xi32, #tpu.memory_space<vmem>>) target_semaphore(%run_scoped3A : memref<!tpu.dma_semaphore, #tpu.memory_space<semaphore_mem>>)
      %dma_wait3A_490 = tpu.memref_slice %arg23[%mul3A_339] : memref<256xi32, #tpu.memory_space<vmem_shared>> -> memref<64xi32, #tpu.memory_space<vmem_shared>>
      %dma_wait3A_491 = tpu.memref_slice %arg23[%mul3A_339] : memref<256xi32, #tpu.memory_space<vmem_shared>> -> memref<64xi32, #tpu.memory_space<vmem_shared>>
      tpu.wait_dma2 semaphore(%run_scoped3A : memref<!tpu.dma_semaphore, #tpu.memory_space<semaphore_mem>>) src(%dma_wait3A_491 : memref<64xi32, #tpu.memory_space<vmem_shared>>) dst(%arg20 : memref<64xi32, #tpu.memory_space<vmem>>)
      tpu.yield
    }) : () -> ()
    %get3A_354 = arith.constant 0 : index
    %get3A_355 = tpu.vector_load %arg20[%get3A_354] {strides = array<i32>} : memref<64xi32, #tpu.memory_space<vmem>>, vector<16xi32>,
    %reduce_sum3A_356 = arith.constant true
    %reduce_sum3A_357 = vector.broadcast %reduce_sum3A_356 : i1 to vector<16xi1>
    %reduce_sum3A_358 = tpu.scan <sum>, %get3A_355 masked %reduce_sum3A_357 : vector<16xi32>, vector<16xi1> -> vector<16xi32>
    %reduce_sum3A_359 = vector.extract %reduce_sum3A_358[15] : i32 from vector<16xi32>
    %get3A_360 = arith.constant 16 : index
    %get3A_361 = tpu.vector_load %arg20[%get3A_360] {strides = array<i32>} : memref<64xi32, #tpu.memory_space<vmem>>, vector<16xi32>,
    %reduce_sum3A_362 = arith.constant true
    %reduce_sum3A_363 = vector.broadcast %reduce_sum3A_362 : i1 to vector<16xi1>
    %reduce_sum3A_364 = tpu.scan <sum>, %get3A_361 masked %reduce_sum3A_363 : vector<16xi32>, vector<16xi1> -> vector<16xi32>
    %reduce_sum3A_365 = vector.extract %reduce_sum3A_364[15] : i32 from vector<16xi32>
    %get3A_366 = arith.constant 32 : index
    %get3A_367 = tpu.vector_load %arg20[%get3A_366] {strides = array<i32>} : memref<64xi32, #tpu.memory_space<vmem>>, vector<16xi32>,
    %reduce_sum3A_368 = arith.constant true
    %reduce_sum3A_369 = vector.broadcast %reduce_sum3A_368 : i1 to vector<16xi1>
    %reduce_sum3A_370 = tpu.scan <sum>, %get3A_367 masked %reduce_sum3A_369 : vector<16xi32>, vector<16xi1> -> vector<16xi32>
    %reduce_sum3A_371 = vector.extract %reduce_sum3A_370[15] : i32 from vector<16xi32>
    %get3A_372 = arith.constant 48 : index
    %get3A_373 = tpu.vector_load %arg20[%get3A_372] {strides = array<i32>} : memref<64xi32, #tpu.memory_space<vmem>>, vector<16xi32>,
    %reduce_sum3A_374 = arith.constant true
    %reduce_sum3A_375 = vector.broadcast %reduce_sum3A_374 : i1 to vector<16xi1>
    %reduce_sum3A_376 = tpu.scan <sum>, %get3A_373 masked %reduce_sum3A_375 : vector<16xi32>, vector<16xi1> -> vector<16xi32>
    %reduce_sum3A_377 = vector.extract %reduce_sum3A_376[15] : i32 from vector<16xi32>
    "tpu.region"() ({
      %run_scoped3A = tpu.sem_alloc : memref<!tpu.dma_semaphore, #tpu.memory_space<semaphore_mem>>
      %dma_start3A_488 = tpu.memref_slice %arg24[%mul3A_339] : memref<256xi32, #tpu.memory_space<vmem_shared>> -> memref<64xi32, #tpu.memory_space<vmem_shared>>
      %dma_start3A_489 = tpu.memref_slice %arg24[%mul3A_339] : memref<256xi32, #tpu.memory_space<vmem_shared>> -> memref<64xi32, #tpu.memory_space<vmem_shared>>
      tpu.enqueue_dma source(%dma_start3A_489 : memref<64xi32, #tpu.memory_space<vmem_shared>>) target(%arg20 : memref<64xi32, #tpu.memory_space<vmem>>) target_semaphore(%run_scoped3A : memref<!tpu.dma_semaphore, #tpu.memory_space<semaphore_mem>>)
      %dma_wait3A_490 = tpu.memref_slice %arg24[%mul3A_339] : memref<256xi32, #tpu.memory_space<vmem_shared>> -> memref<64xi32, #tpu.memory_space<vmem_shared>>
      %dma_wait3A_491 = tpu.memref_slice %arg24[%mul3A_339] : memref<256xi32, #tpu.memory_space<vmem_shared>> -> memref<64xi32, #tpu.memory_space<vmem_shared>>
      tpu.wait_dma2 semaphore(%run_scoped3A : memref<!tpu.dma_semaphore, #tpu.memory_space<semaphore_mem>>) src(%dma_wait3A_491 : memref<64xi32, #tpu.memory_space<vmem_shared>>) dst(%arg20 : memref<64xi32, #tpu.memory_space<vmem>>)
      tpu.yield
    }) : () -> ()
    %get3A_378 = arith.constant 0 : index
    %get3A_379 = tpu.vector_load %arg20[%get3A_378] {strides = array<i32>} : memref<64xi32, #tpu.memory_space<vmem>>, vector<16xi32>,
    %reduce_sum3A_380 = arith.constant true
    %reduce_sum3A_381 = vector.broadcast %reduce_sum3A_380 : i1 to vector<16xi1>
    %reduce_sum3A_382 = tpu.scan <sum>, %get3A_379 masked %reduce_sum3A_381 : vector<16xi32>, vector<16xi1> -> vector<16xi32>
    %reduce_sum3A_383 = vector.extract %reduce_sum3A_382[15] : i32 from vector<16xi32>
    %get3A_384 = arith.constant 16 : index
    %get3A_385 = tpu.vector_load %arg20[%get3A_384] {strides = array<i32>} : memref<64xi32, #tpu.memory_space<vmem>>, vector<16xi32>,
    %reduce_sum3A_386 = arith.constant true
    %reduce_sum3A_387 = vector.broadcast %reduce_sum3A_386 : i1 to vector<16xi1>
    %reduce_sum3A_388 = tpu.scan <sum>, %get3A_385 masked %reduce_sum3A_387 : vector<16xi32>, vector<16xi1> -> vector<16xi32>
    %reduce_sum3A_389 = vector.extract %reduce_sum3A_388[15] : i32 from vector<16xi32>
    %get3A_390 = arith.constant 32 : index
    %get3A_391 = tpu.vector_load %arg20[%get3A_390] {strides = array<i32>} : memref<64xi32, #tpu.memory_space<vmem>>, vector<16xi32>,
    %reduce_sum3A_392 = arith.constant true
    %reduce_sum3A_393 = vector.broadcast %reduce_sum3A_392 : i1 to vector<16xi1>
    %reduce_sum3A_394 = tpu.scan <sum>, %get3A_391 masked %reduce_sum3A_393 : vector<16xi32>, vector<16xi1> -> vector<16xi32>
    %reduce_sum3A_395 = vector.extract %reduce_sum3A_394[15] : i32 from vector<16xi32>
    %get3A_396 = arith.constant 48 : index
    %get3A_397 = tpu.vector_load %arg20[%get3A_396] {strides = array<i32>} : memref<64xi32, #tpu.memory_space<vmem>>, vector<16xi32>,
    %reduce_sum3A_398 = arith.constant true
    %reduce_sum3A_399 = vector.broadcast %reduce_sum3A_398 : i1 to vector<16xi1>
    %reduce_sum3A_400 = tpu.scan <sum>, %get3A_397 masked %reduce_sum3A_399 : vector<16xi32>, vector<16xi1> -> vector<16xi32>
    %reduce_sum3A_401 = vector.extract %reduce_sum3A_400[15] : i32 from vector<16xi32>
    %lt3A_402 = arith.constant 0 : i32
    %lt3A_403 = arith.cmpi slt, %lt3A_402, %select_n3A_28 : i32
    %jit3A_404 = arith.constant 1 : i32
    %jit3A_405 = arith.constant 0 : i32
    %select_n3A_406 = arith.select %lt3A_403, %jit3A_404, %jit3A_405 : i32
    %mul3A_407 = arith.muli %select_n3A_406, %reduce_sum3A_359 : i32
    %add3A_408 = arith.constant 0 : i32
    %add3A_409 = arith.addi %add3A_408, %mul3A_407 : i32
    %mul3A_410 = arith.muli %select_n3A_406, %reduce_sum3A_383 : i32
    %add3A_411 = arith.constant 0 : i32
    %add3A_412 = arith.addi %add3A_411, %mul3A_410 : i32
    %add3A_413 = arith.constant 0 : i32
    %add3A_414 = arith.addi %add3A_413, %reduce_sum3A_359 : i32
    %add3A_415 = arith.constant 0 : i32
    %add3A_416 = arith.addi %add3A_415, %reduce_sum3A_383 : i32
    %lt3A_417 = arith.constant 1 : i32
    %lt3A_418 = arith.cmpi slt, %lt3A_417, %select_n3A_28 : i32
    %jit3A_419 = arith.constant 1 : i32
    %jit3A_420 = arith.constant 0 : i32
    %select_n3A_421 = arith.select %lt3A_418, %jit3A_419, %jit3A_420 : i32
    %mul3A_422 = arith.muli %select_n3A_421, %reduce_sum3A_365 : i32
    %add3A_423 = arith.addi %add3A_409, %mul3A_422 : i32
    %mul3A_424 = arith.muli %select_n3A_421, %reduce_sum3A_389 : i32
    %add3A_425 = arith.addi %add3A_412, %mul3A_424 : i32
    %add3A_426 = arith.addi %add3A_414, %reduce_sum3A_365 : i32
    %add3A_427 = arith.addi %add3A_416, %reduce_sum3A_389 : i32
    %lt3A_428 = arith.constant 2 : i32
    %lt3A_429 = arith.cmpi slt, %lt3A_428, %select_n3A_28 : i32
    %jit3A_430 = arith.constant 1 : i32
    %jit3A_431 = arith.constant 0 : i32
    %select_n3A_432 = arith.select %lt3A_429, %jit3A_430, %jit3A_431 : i32
    %mul3A_433 = arith.muli %select_n3A_432, %reduce_sum3A_371 : i32
    %add3A_434 = arith.addi %add3A_423, %mul3A_433 : i32
    %mul3A_435 = arith.muli %select_n3A_432, %reduce_sum3A_395 : i32
    %add3A_436 = arith.addi %add3A_425, %mul3A_435 : i32
    %add3A_437 = arith.addi %add3A_426, %reduce_sum3A_371 : i32
    %add3A_438 = arith.addi %add3A_427, %reduce_sum3A_395 : i32
    %lt3A_439 = arith.constant 3 : i32
    %lt3A_440 = arith.cmpi slt, %lt3A_439, %select_n3A_28 : i32
    %jit3A_441 = arith.constant 1 : i32
    %jit3A_442 = arith.constant 0 : i32
    %select_n3A_443 = arith.select %lt3A_440, %jit3A_441, %jit3A_442 : i32
    %mul3A_444 = arith.muli %select_n3A_443, %reduce_sum3A_377 : i32
    %add3A_445 = arith.addi %add3A_434, %mul3A_444 : i32
    %mul3A_446 = arith.muli %select_n3A_443, %reduce_sum3A_401 : i32
    %add3A_447 = arith.addi %add3A_436, %mul3A_446 : i32
    %add3A_448 = arith.addi %add3A_437, %reduce_sum3A_377 : i32
    %add3A_449 = arith.addi %add3A_438, %reduce_sum3A_401 : i32
    %add3A_450 = arith.addi %reduce_sum3A_353, %add3A_449 : i32
    %convert_element_type3A = arith.sitofp %add3A_450 : i32 to f32
    %convert_element_type3A_451 = arith.sitofp %add3A_448 : i32 to f32
    %convert_element_type3A_452 = arith.sitofp %add3A_449 : i32 to f32
    %mul3A_453 = arith.constant 2304 : i32
    %mul3A_454 = arith.muli %select_n3A_28, %mul3A_453 : i32
    %add3A_455 = arith.constant 27392 : i32
    %add3A_456 = arith.addi %mul3A_454, %add3A_455 : i32
    %broadcast_in_dim3A_457 = arith.constant 15 : i32
    %broadcast_in_dim3A_458 = vector.broadcast %broadcast_in_dim3A_457 : i32 to vector<16xi32>
    %broadcast_in_dim3A_459 = arith.constant 0.000000e+00 : f32
    %broadcast_in_dim3A_460 = vector.broadcast %broadcast_in_dim3A_459 : f32 to vector<16xf32>
    %add3A_461 = vector.broadcast %add3A_445 : i32 to vector<16xi32>
    %add3A_462 = arith.addi %broadcast_in_dim3A_36, %add3A_461 : vector<16xi32>
    %add3A_463 = vector.broadcast %add3A_447 : i32 to vector<16xi32>
    %add3A_464 = arith.addi %broadcast_in_dim3A_36, %add3A_463 : vector<16xi32>
    %scan3A_465 = arith.constant 1.000000e+00 : f32
    %scan3A_466 = arith.constant 0 : i32
    %scan3A_467 = arith.constant 72 : i32
    %scan3A_468 = arith.addi %scan3A_466, %scan3A_467 : i32
    %scan3A_469 = arith.constant 1 : i32
    %scan3A_470:3 = scf.for %scan3A_488 = %scan3A_466 to %scan3A_468 step %scan3A_469 iter_args(%scan3A_489 = %add3A_462, %scan3A_490 = %add3A_464, %scan3A_491 = %broadcast_in_dim3A_460) -> (vector<16xi32>, vector<16xi32>, vector<16xf32>)  : i32 {
      %mul3A_492 = arith.constant 2 : i32
      %mul3A_493 = arith.muli %scan3A_488, %mul3A_492 : i32
      %add3A_494 = arith.constant 0 : i32
      %add3A_495 = arith.addi %mul3A_493, %add3A_494 : i32
      %mul3A_496 = arith.constant 16 : i32
      %mul3A_497 = arith.muli %add3A_495, %mul3A_496 : i32
      %get3A_498 = arith.index_cast %mul3A_497 : i32 to index
      %get3A_499 = tpu.vector_load %arg12[%get3A_498] {strides = array<i32>} : memref<2304xi32, #tpu.memory_space<vmem>>, vector<16xi32>,
      %mul3A_500 = arith.constant 16 : i32
      %mul3A_501 = arith.muli %add3A_495, %mul3A_500 : i32
      %get3A_502 = arith.index_cast %mul3A_501 : i32 to index
      %get3A_503 = tpu.vector_load %arg13[%get3A_502] {strides = array<i32>} : memref<2304xi32, #tpu.memory_space<vmem>>, vector<16xi32>,
      %broadcast_in_dim3A_504 = arith.constant true
      %broadcast_in_dim3A_505 = vector.broadcast %broadcast_in_dim3A_504 : i1 to vector<16xi1>
      %masked_cumsum3A = tpu.scan <sum>, %get3A_499 masked %broadcast_in_dim3A_505 : vector<16xi32>, vector<16xi1> -> vector<16xi32>
      %add3A_506 = arith.addi %masked_cumsum3A, %scan3A_489 : vector<16xi32>
      %broadcast_in_dim3A_507 = arith.constant true
      %broadcast_in_dim3A_508 = vector.broadcast %broadcast_in_dim3A_507 : i1 to vector<16xi1>
      %masked_cumsum3A_509 = tpu.scan <sum>, %get3A_503 masked %broadcast_in_dim3A_508 : vector<16xi32>, vector<16xi1> -> vector<16xi32>
      %add3A_510 = arith.addi %masked_cumsum3A_509, %scan3A_490 : vector<16xi32>
      %convert_element_type3A_511 = arith.sitofp %get3A_499 : vector<16xi32> to vector<16xf32>
      %convert_element_type3A_512 = arith.sitofp %get3A_503 : vector<16xi32> to vector<16xf32>
      %convert_element_type3A_513 = arith.sitofp %add3A_506 : vector<16xi32> to vector<16xf32>
      %convert_element_type3A_514 = arith.sitofp %add3A_510 : vector<16xi32> to vector<16xf32>
      %sub3A_515 = vector.broadcast %convert_element_type3A_451 : f32 to vector<16xf32>
      %sub3A_516 = arith.subf %sub3A_515, %convert_element_type3A_513 : vector<16xf32>
      %add3A_517 = vector.broadcast %convert_element_type3A : f32 to vector<16xf32>
      %add3A_518 = arith.addf %add3A_517, %sub3A_516 : vector<16xf32>
      %max3A = vector.broadcast %scan3A_465 : f32 to vector<16xf32>
      %max3A_519 = arith.maximumf %add3A_518, %max3A : vector<16xf32>
      %add3A_520 = vector.broadcast %convert_element_type3A : f32 to vector<16xf32>
      %add3A_521 = arith.addf %add3A_520, %sub3A_516 : vector<16xf32>
      %add3A_522 = arith.addf %add3A_521, %convert_element_type3A_511 : vector<16xf32>
      %max3A_523 = vector.broadcast %scan3A_465 : f32 to vector<16xf32>
      %max3A_524 = arith.maximumf %add3A_522, %max3A_523 : vector<16xf32>
      %sub3A_525 = arith.subf %convert_element_type3A, %convert_element_type3A_452 : f32
      %add3A_526 = vector.broadcast %sub3A_525 : f32 to vector<16xf32>
      %add3A_527 = arith.addf %add3A_526, %convert_element_type3A_514 : vector<16xf32>
      %sub3A_528 = arith.subf %add3A_527, %convert_element_type3A_512 : vector<16xf32>
      %mul3A_529 = arith.constant 16 : i32
      %mul3A_530 = arith.muli %add3A_495, %mul3A_529 : i32
      %add3A_531 = arith.addi %add3A_456, %mul3A_530 : i32
      %add3A_532 = vector.broadcast %add3A_531 : i32 to vector<16xi32>
      %add3A_533 = arith.addi %add3A_532, %iota3A : vector<16xi32>
      %shift_left3A = arith.constant 15 : i32
      %shift_left3A_534 = vector.broadcast %shift_left3A : i32 to vector<16xi32>
      %shift_left3A_535 = arith.shli %add3A_533, %shift_left3A_534 : vector<16xi32>
      %or3A = arith.constant 16384 : i32
      %or3A_536 = vector.broadcast %or3A : i32 to vector<16xi32>
      %or3A_537 = arith.ori %shift_left3A_535, %or3A_536 : vector<16xi32>
      %bitcast_convert_type3A = tpu.bitcast %or3A_537 : vector<16xi32> -> vector<16xf32>
      %div3A_538 = arith.divf %convert_element_type3A_512, %max3A_519 : vector<16xf32>
      %mul3A_539 = arith.mulf %sub3A_528, %convert_element_type3A_511 : vector<16xf32>
      %mul3A_540 = arith.mulf %max3A_519, %max3A_524 : vector<16xf32>
      %div3A_541 = arith.divf %mul3A_539, %mul3A_540 : vector<16xf32>
      %add3A_542 = arith.addf %div3A_538, %div3A_541 : vector<16xf32>
      %mul3A_543 = arith.mulf %bitcast_convert_type3A, %add3A_542 : vector<16xf32>
      %eq3A_544 = arith.constant 0 : i32
      %eq3A_545 = arith.cmpi eq, %add3A_450, %eq3A_544 : i32
      %eq3A_546 = arith.constant 0.000000e+00 : f32
      %eq3A_547 = vector.broadcast %eq3A_546 : f32 to vector<16xf32>
      %eq3A_548 = arith.cmpf oeq, %sub3A_516, %eq3A_547 : vector<16xf32>
      %and3A_549 = vector.broadcast %eq3A_545 : i1 to vector<16xi1>
      %and3A_550 = arith.andi %and3A_549, %eq3A_548 : vector<16xi1>
      %gt3A = arith.constant 0 : i32
      %gt3A_551 = vector.broadcast %gt3A : i32 to vector<16xi32>
      %gt3A_552 = arith.cmpi sgt, %get3A_499, %gt3A_551 : vector<16xi32>
      %and3A_553 = arith.andi %and3A_550, %gt3A_552 : vector<16xi1>
      %add3A_554 = arith.addf %scan3A_491, %mul3A_543 : vector<16xf32>
      %jit3A_555 = arith.constant 0.000000e+00 : f32
      %broadcast_in_dim3A_556 = vector.broadcast %jit3A_555 : f32 to vector<16xf32>
      %select_n3A_557 = arith.select %and3A_553, %bitcast_convert_type3A, %broadcast_in_dim3A_556 : vector<16xi1>, vector<16xf32>
      %add3A_558 = arith.addf %add3A_554, %select_n3A_557 : vector<16xf32>
      %lt3A_559 = arith.constant 0 : i32
      %lt3A_560 = vector.broadcast %lt3A_559 : i32 to vector<16xi32>
      %lt3A_561 = arith.cmpi slt, %broadcast_in_dim3A_458, %lt3A_560 : vector<16xi32>
      %add3A_562 = arith.constant 16 : i32
      %add3A_563 = vector.broadcast %add3A_562 : i32 to vector<16xi32>
      %add3A_564 = arith.addi %broadcast_in_dim3A_458, %add3A_563 : vector<16xi32>
      %select_n3A_565 = arith.select %lt3A_561, %add3A_564, %broadcast_in_dim3A_458 : vector<16xi1>, vector<16xi32>
      %broadcast_in_dim3A_566 = vector.shape_cast %select_n3A_565 : vector<16xi32> to vector<16x1xi32>
      %gather3A = vector.shape_cast %broadcast_in_dim3A_566 : vector<16x1xi32> to vector<16xi32>
      %gather3A_567 = tpu.dynamic_gather %add3A_506[%gather3A] in [0] : vector<16xi32>, vector<16xi32> -> vector<16xi32>
      %lt3A_568 = arith.constant 0 : i32
      %lt3A_569 = vector.broadcast %lt3A_568 : i32 to vector<16xi32>
      %lt3A_570 = arith.cmpi slt, %broadcast_in_dim3A_458, %lt3A_569 : vector<16xi32>
      %add3A_571 = arith.constant 16 : i32
      %add3A_572 = vector.broadcast %add3A_571 : i32 to vector<16xi32>
      %add3A_573 = arith.addi %broadcast_in_dim3A_458, %add3A_572 : vector<16xi32>
      %select_n3A_574 = arith.select %lt3A_570, %add3A_573, %broadcast_in_dim3A_458 : vector<16xi1>, vector<16xi32>
      %broadcast_in_dim3A_575 = vector.shape_cast %select_n3A_574 : vector<16xi32> to vector<16x1xi32>
      %gather3A_576 = vector.shape_cast %broadcast_in_dim3A_575 : vector<16x1xi32> to vector<16xi32>
      %gather3A_577 = tpu.dynamic_gather %add3A_510[%gather3A_576] in [0] : vector<16xi32>, vector<16xi32> -> vector<16xi32>
      %mul3A_578 = arith.constant 2 : i32
      %mul3A_579 = arith.muli %scan3A_488, %mul3A_578 : i32
      %add3A_580 = arith.constant 1 : i32
      %add3A_581 = arith.addi %mul3A_579, %add3A_580 : i32
      %mul3A_582 = arith.constant 16 : i32
      %mul3A_583 = arith.muli %add3A_581, %mul3A_582 : i32
      %get3A_584 = arith.index_cast %mul3A_583 : i32 to index
      %get3A_585 = tpu.vector_load %arg12[%get3A_584] {strides = array<i32>} : memref<2304xi32, #tpu.memory_space<vmem>>, vector<16xi32>,
      %mul3A_586 = arith.constant 16 : i32
      %mul3A_587 = arith.muli %add3A_581, %mul3A_586 : i32
      %get3A_588 = arith.index_cast %mul3A_587 : i32 to index
      %get3A_589 = tpu.vector_load %arg13[%get3A_588] {strides = array<i32>} : memref<2304xi32, #tpu.memory_space<vmem>>, vector<16xi32>,
      %broadcast_in_dim3A_590 = arith.constant true
      %broadcast_in_dim3A_591 = vector.broadcast %broadcast_in_dim3A_590 : i1 to vector<16xi1>
      %masked_cumsum3A_592 = tpu.scan <sum>, %get3A_585 masked %broadcast_in_dim3A_591 : vector<16xi32>, vector<16xi1> -> vector<16xi32>
      %add3A_593 = arith.addi %masked_cumsum3A_592, %gather3A_567 : vector<16xi32>
      %broadcast_in_dim3A_594 = arith.constant true
      %broadcast_in_dim3A_595 = vector.broadcast %broadcast_in_dim3A_594 : i1 to vector<16xi1>
      %masked_cumsum3A_596 = tpu.scan <sum>, %get3A_589 masked %broadcast_in_dim3A_595 : vector<16xi32>, vector<16xi1> -> vector<16xi32>
      %add3A_597 = arith.addi %masked_cumsum3A_596, %gather3A_577 : vector<16xi32>
      %convert_element_type3A_598 = arith.sitofp %get3A_585 : vector<16xi32> to vector<16xf32>
      %convert_element_type3A_599 = arith.sitofp %get3A_589 : vector<16xi32> to vector<16xf32>
      %convert_element_type3A_600 = arith.sitofp %add3A_593 : vector<16xi32> to vector<16xf32>
      %convert_element_type3A_601 = arith.sitofp %add3A_597 : vector<16xi32> to vector<16xf32>
      %sub3A_602 = vector.broadcast %convert_element_type3A_451 : f32 to vector<16xf32>
      %sub3A_603 = arith.subf %sub3A_602, %convert_element_type3A_600 : vector<16xf32>
      %add3A_604 = vector.broadcast %convert_element_type3A : f32 to vector<16xf32>
      %add3A_605 = arith.addf %add3A_604, %sub3A_603 : vector<16xf32>
      %max3A_606 = vector.broadcast %scan3A_465 : f32 to vector<16xf32>
      %max3A_607 = arith.maximumf %add3A_605, %max3A_606 : vector<16xf32>
      %add3A_608 = vector.broadcast %convert_element_type3A : f32 to vector<16xf32>
      %add3A_609 = arith.addf %add3A_608, %sub3A_603 : vector<16xf32>
      %add3A_610 = arith.addf %add3A_609, %convert_element_type3A_598 : vector<16xf32>
      %max3A_611 = vector.broadcast %scan3A_465 : f32 to vector<16xf32>
      %max3A_612 = arith.maximumf %add3A_610, %max3A_611 : vector<16xf32>
      %sub3A_613 = arith.subf %convert_element_type3A, %convert_element_type3A_452 : f32
      %add3A_614 = vector.broadcast %sub3A_613 : f32 to vector<16xf32>
      %add3A_615 = arith.addf %add3A_614, %convert_element_type3A_601 : vector<16xf32>
      %sub3A_616 = arith.subf %add3A_615, %convert_element_type3A_599 : vector<16xf32>
      %mul3A_617 = arith.constant 16 : i32
      %mul3A_618 = arith.muli %add3A_581, %mul3A_617 : i32
      %add3A_619 = arith.addi %add3A_456, %mul3A_618 : i32
      %add3A_620 = vector.broadcast %add3A_619 : i32 to vector<16xi32>
      %add3A_621 = arith.addi %add3A_620, %iota3A : vector<16xi32>
      %shift_left3A_622 = arith.constant 15 : i32
      %shift_left3A_623 = vector.broadcast %shift_left3A_622 : i32 to vector<16xi32>
      %shift_left3A_624 = arith.shli %add3A_621, %shift_left3A_623 : vector<16xi32>
      %or3A_625 = arith.constant 16384 : i32
      %or3A_626 = vector.broadcast %or3A_625 : i32 to vector<16xi32>
      %or3A_627 = arith.ori %shift_left3A_624, %or3A_626 : vector<16xi32>
      %bitcast_convert_type3A_628 = tpu.bitcast %or3A_627 : vector<16xi32> -> vector<16xf32>
      %div3A_629 = arith.divf %convert_element_type3A_599, %max3A_607 : vector<16xf32>
      %mul3A_630 = arith.mulf %sub3A_616, %convert_element_type3A_598 : vector<16xf32>
      %mul3A_631 = arith.mulf %max3A_607, %max3A_612 : vector<16xf32>
      %div3A_632 = arith.divf %mul3A_630, %mul3A_631 : vector<16xf32>
      %add3A_633 = arith.addf %div3A_629, %div3A_632 : vector<16xf32>
      %mul3A_634 = arith.mulf %bitcast_convert_type3A_628, %add3A_633 : vector<16xf32>
      %eq3A_635 = arith.constant 0 : i32
      %eq3A_636 = arith.cmpi eq, %add3A_450, %eq3A_635 : i32
      %eq3A_637 = arith.constant 0.000000e+00 : f32
      %eq3A_638 = vector.broadcast %eq3A_637 : f32 to vector<16xf32>
      %eq3A_639 = arith.cmpf oeq, %sub3A_603, %eq3A_638 : vector<16xf32>
      %and3A_640 = vector.broadcast %eq3A_636 : i1 to vector<16xi1>
      %and3A_641 = arith.andi %and3A_640, %eq3A_639 : vector<16xi1>
      %gt3A_642 = arith.constant 0 : i32
      %gt3A_643 = vector.broadcast %gt3A_642 : i32 to vector<16xi32>
      %gt3A_644 = arith.cmpi sgt, %get3A_585, %gt3A_643 : vector<16xi32>
      %and3A_645 = arith.andi %and3A_641, %gt3A_644 : vector<16xi1>
      %add3A_646 = arith.addf %add3A_558, %mul3A_634 : vector<16xf32>
      %jit3A_647 = arith.constant 0.000000e+00 : f32
      %broadcast_in_dim3A_648 = vector.broadcast %jit3A_647 : f32 to vector<16xf32>
      %select_n3A_649 = arith.select %and3A_645, %bitcast_convert_type3A_628, %broadcast_in_dim3A_648 : vector<16xi1>, vector<16xf32>
      %add3A_650 = arith.addf %add3A_646, %select_n3A_649 : vector<16xf32>
      %lt3A_651 = arith.constant 0 : i32
      %lt3A_652 = vector.broadcast %lt3A_651 : i32 to vector<16xi32>
      %lt3A_653 = arith.cmpi slt, %broadcast_in_dim3A_458, %lt3A_652 : vector<16xi32>
      %add3A_654 = arith.constant 16 : i32
      %add3A_655 = vector.broadcast %add3A_654 : i32 to vector<16xi32>
      %add3A_656 = arith.addi %broadcast_in_dim3A_458, %add3A_655 : vector<16xi32>
      %select_n3A_657 = arith.select %lt3A_653, %add3A_656, %broadcast_in_dim3A_458 : vector<16xi1>, vector<16xi32>
      %broadcast_in_dim3A_658 = vector.shape_cast %select_n3A_657 : vector<16xi32> to vector<16x1xi32>
      %gather3A_659 = vector.shape_cast %broadcast_in_dim3A_658 : vector<16x1xi32> to vector<16xi32>
      %gather3A_660 = tpu.dynamic_gather %add3A_593[%gather3A_659] in [0] : vector<16xi32>, vector<16xi32> -> vector<16xi32>
      %lt3A_661 = arith.constant 0 : i32
      %lt3A_662 = vector.broadcast %lt3A_661 : i32 to vector<16xi32>
      %lt3A_663 = arith.cmpi slt, %broadcast_in_dim3A_458, %lt3A_662 : vector<16xi32>
      %add3A_664 = arith.constant 16 : i32
      %add3A_665 = vector.broadcast %add3A_664 : i32 to vector<16xi32>
      %add3A_666 = arith.addi %broadcast_in_dim3A_458, %add3A_665 : vector<16xi32>
      %select_n3A_667 = arith.select %lt3A_663, %add3A_666, %broadcast_in_dim3A_458 : vector<16xi1>, vector<16xi32>
      %broadcast_in_dim3A_668 = vector.shape_cast %select_n3A_667 : vector<16xi32> to vector<16x1xi32>
      %gather3A_669 = vector.shape_cast %broadcast_in_dim3A_668 : vector<16x1xi32> to vector<16xi32>
      %gather3A_670 = tpu.dynamic_gather %add3A_597[%gather3A_669] in [0] : vector<16xi32>, vector<16xi32> -> vector<16xi32>
      scf.yield %gather3A_660, %gather3A_670, %add3A_650 : vector<16xi32>, vector<16xi32>, vector<16xf32>
    }
    %scan3A_471 = arith.constant 72 : i32
    %reduce_sum3A_472 = arith.constant true
    %reduce_sum3A_473 = vector.broadcast %reduce_sum3A_472 : i1 to vector<16xi1>
    %reduce_sum3A_474 = tpu.scan <sum>, %scan3A_470#2 masked %reduce_sum3A_473 : vector<16xf32>, vector<16xi1> -> vector<16xf32>
    %reduce_sum3A_475 = vector.extract %reduce_sum3A_474[15] : f32 from vector<16xf32>
    %eq3A_476 = arith.constant 0 : i32
    %eq3A_477 = vector.broadcast %eq3A_476 : i32 to vector<16xi32>
    %eq3A_478 = arith.cmpi eq, %iota3A, %eq3A_477 : vector<16xi32>
    %jit3A_479 = arith.constant 0.000000e+00 : f32
    %broadcast_in_dim3A_480 = vector.broadcast %reduce_sum3A_475 : f32 to vector<16xf32>
    %broadcast_in_dim3A_481 = vector.broadcast %jit3A_479 : f32 to vector<16xf32>
    %select_n3A_482 = arith.select %eq3A_478, %broadcast_in_dim3A_480, %broadcast_in_dim3A_481 : vector<16xi1>, vector<16xf32>
    %swap3A_483 = arith.constant 0 : index
    %swap3A_484 = tpu.vector_load %arg18[%swap3A_483] {strides = array<i32>} : memref<16xf32, #tpu.memory_space<vmem>>, vector<16xf32>,
    tpu.vector_store %arg18[%swap3A_483], %select_n3A_482 {strides = array<i32>} : memref<16xf32, #tpu.memory_space<vmem>>, vector<16xf32>,
    %mul3A_485 = arith.constant 16 : i32
    %mul3A_486 = arith.muli %arg0, %mul3A_485 : i32
    %add3A_487 = arith.addi %mul3A_486, %arg1 : i32
    "tpu.region"() ({
      %run_scoped3A = tpu.sem_alloc : memref<!tpu.dma_semaphore, #tpu.memory_space<semaphore_mem>>
      %dma_start3A_488 = arith.constant 0 : i32
      %dma_start3A_489 = tpu.memref_slice %arg4[%add3A_487, %dma_start3A_488] : memref<32x16xf32, #tpu.memory_space<hbm>> -> memref<1x16xf32, #tpu.memory_space<hbm>>
      %dma_start3A_490 = tpu.memref_squeeze %dma_start3A_489 : memref<1x16xf32, #tpu.memory_space<hbm>> -> memref<16xf32, #tpu.memory_space<hbm>>
      %dma_start3A_491 = arith.constant 0 : i32
      %dma_start3A_492 = tpu.memref_slice %arg4[%add3A_487, %dma_start3A_491] : memref<32x16xf32, #tpu.memory_space<hbm>> -> memref<1x16xf32, #tpu.memory_space<hbm>>
      %dma_start3A_493 = tpu.memref_squeeze %dma_start3A_492 : memref<1x16xf32, #tpu.memory_space<hbm>> -> memref<16xf32, #tpu.memory_space<hbm>>
      tpu.enqueue_dma source(%arg18 : memref<16xf32, #tpu.memory_space<vmem>>) target(%dma_start3A_493 : memref<16xf32, #tpu.memory_space<hbm>>) target_semaphore(%run_scoped3A : memref<!tpu.dma_semaphore, #tpu.memory_space<semaphore_mem>>)
      %dma_wait3A_494 = arith.constant 0 : i32
      %dma_wait3A_495 = tpu.memref_slice %arg4[%add3A_487, %dma_wait3A_494] : memref<32x16xf32, #tpu.memory_space<hbm>> -> memref<1x16xf32, #tpu.memory_space<hbm>>
      %dma_wait3A_496 = tpu.memref_squeeze %dma_wait3A_495 : memref<1x16xf32, #tpu.memory_space<hbm>> -> memref<16xf32, #tpu.memory_space<hbm>>
      %dma_wait3A_497 = arith.constant 0 : i32
      %dma_wait3A_498 = tpu.memref_slice %arg4[%add3A_487, %dma_wait3A_497] : memref<32x16xf32, #tpu.memory_space<hbm>> -> memref<1x16xf32, #tpu.memory_space<hbm>>
      %dma_wait3A_499 = tpu.memref_squeeze %dma_wait3A_498 : memref<1x16xf32, #tpu.memory_space<hbm>> -> memref<16xf32, #tpu.memory_space<hbm>>
      tpu.wait_dma2 semaphore(%run_scoped3A : memref<!tpu.dma_semaphore, #tpu.memory_space<semaphore_mem>>) src(%arg18 : memref<16xf32, #tpu.memory_space<vmem>>) dst(%dma_wait3A_499 : memref<16xf32, #tpu.memory_space<hbm>>)
      tpu.yield
    }) : () -> ()
    return
  }
}

</mosaic_0001>

<sc_bundles>
// kernel: kernel.3.cloned.1.call-start
scs
__scs_entry_jumppad:
0x0: {  	(pc) =	sbr.rel $0x88, $3  }
0x1: {  	(tag) =	ssettag $0x0;
	lr =	simm.s32 $0x1  }
0x2: {  	[smem:$0x3F9F] =	sst lr;
	_ =	strace $0xD0000000  }
0x3: {  	_ = 	snop  }
0x4: {  	_ = 	snop  }
0x5: {  	_ = 	snop  }
0x6: {  	_ = 	snop  }
0x7: {  	_ = 	snop  }
__scs_overlays_trampoline_lowered:
0x8: {  	[smem:$0x3FAE] =	sst s0  }
0x9: {  	[smem:$0x3FAF] =	sst s1  }
0xa: {  	[smem:$0x3FB0] =	sst s2  }
0xb: {  	[smem:$0x3FB1] =	sst s3  }
0xc: {  	[smem:$0x3FB2] =	sst s4  }
0xd: {  	[smem:$0x3FB3] =	sst s5  }
0xe: {  	[smem:$0x3FB4] =	sst s6  }
0xf: {  	[smem:$0x3FB5] =	sst s7  }
0x10: {  	[smem:$0x3FB6] =	sst s8  }
0x11: {  	[smem:$0x3FB7] =	sst s9;
	s0 =	simm.s32 @!p0 $0x0  }
0x12: {  	s1 =	sld [smem:$0x3F9D];
	s0 =	simm.s32 @p0 $0x1  }
0x13: {  	[smem:$0x3FB8] =	sst s0;
	s0 =	simm.s32 @!p1 $0x0  }
0x14: {  	s2 =	sld [smem:$0x3F9C];
	s0 =	simm.s32 @p1 $0x1  }
0x15: {  	[smem:$0x3FB9] =	sst s0;
	s0 =	simm.s32 @!p2 $0x0  }
0x16: {  	s3 =	sld [smem:$0x3FDB];
	s0 =	simm.s32 @p2 $0x1  }
0x17: {  	s4 =	simm.s32 $0x1BF5;
	[smem:$0x3FBB] =	sst s0  }
0x18: {  	s0 =	sld [smem:$0x3F9E];
	_ =	swait.ge [sflag:s4], $0x0  }
0x19: {  	s7 =	sld [smem:$0x3F9F]  }
0x1a: {  	s8 =	sadd.s32 $0xFFFFE003, lr  }
0x1b: {  	s9 =	sadd.s32 $0xFFFFFEF7, lr;
	s5 =	simm.s32 $0xFFFFFFFF;
	p2 =	slt.u32 s8, $0xFFFFF086  }
0x1c: {  	p1 =	slt.u32 s9, $0xF7A;
	s5 =	simm.s32 @!p2 $0x0  }
0x1d: {  	s5 =	simm.s32 @p1 $0x1;
	p0 =	seq.s32 s7, s2  }
0x1e: {  	s7 =	smul.u32 @!p0 $0xF7A, s2;
	p2 =	seq.s32 @!p0 s5, $0x0  }
0x1f: {  	s9 =	smul.u32 $0xF7A, s1;
	s8 =	simm.s32 @!p0 $0x1BF5;
	p2 =	por !p2, p0  }
0x20: {  	[sflag:s8] =	ssyncset.s32 @!p0 $0xFFFFF086;
	s6 =	sadd.s32 @!p0 s3, s7;
	s7 =	simm.s32 @!p0 $0x108  }
0x21: {  	s3 =	sadd.s32 s3, s9;
	s6 =	sadd.s32 @!p0 $0x88, s6;
	s7 =	simm.s32 @p2 $0x1082  }
0x22: {  	[simem:s7], [sflag:s8] =	dma.local @!p0 [hbm:s6], $0xF7A  }
0x23: {  	s9 =	sor.u32 $0xD0000000, s2;
	s6 =	simm.s32 $0x108;
	_ =	swait.ge @!p0 [sflag:s8], $0x0  }
0x24: {  	s3 =	sadd.s32 $0x88, s3;
	s6 =	simm.s32 @!p1 $0x1082;
	[sflag:s4] =	ssyncset.s32 $0xFFFFF086  }
0x25: {  	[simem:s6], [sflag:s4] =	dma.local [hbm:s3], $0xF7A  }
0x26: {  	[smem:$0x3F9F] =	sst s1;
	(tag) =	ssettag s2;
	_ =	strace s9  }
0x27: {  	s1 =	sld [smem:$0x3FAF]  }
0x28: {  	s2 =	sld [smem:$0x3FB0]  }
0x29: {  	s4 =	sld [smem:$0x3FB2]  }
0x2a: {  	p0 =	seq.s32 s5, $0x0;
	s5 =	sld [smem:$0x3FB3]  }
0x2b: {  	s6 =	sld [smem:$0x3FB4]  }
0x2c: {  	s7 =	sld [smem:$0x3FB5]  }
0x2d: {  	s3 =	simm.s32 $0x108;
	s8 =	sld [smem:$0x3FB6]  }
0x2e: {  	s3 =	simm.s32 @!p0 $0x1082;
	s9 =	sld [smem:$0x3FB7]  }
0x2f: {  	lr =	sadd.s32 s0, s3;
	s0 =	sld [smem:$0x3FAE]  }
0x30: {  	s3 =	sld [smem:$0x3FB1]  }
0x31: {  	[smem:$0x3FBA] =	sst s10  }
0x32: {  	s10 =	sld [smem:$0x3FB8];
	_ =	sdelay $0x3  }
0x33: {  	p0 =	seq.s32 s10, $0x1;
	s10 =	sld [smem:$0x3FBA];
	_ =	sdelay $0x3  }
0x34: {  	[smem:$0x3FBA] =	sst s10  }
0x35: {  	s10 =	sld [smem:$0x3FB9];
	_ =	sdelay $0x3  }
0x36: {  	p1 =	seq.s32 s10, $0x1;
	s10 =	sld [smem:$0x3FBA];
	_ =	sdelay $0x3  }
0x37: {  	[smem:$0x3FBA] =	sst s10  }
0x38: {  	s10 =	sld [smem:$0x3FBB]  }
0x39: {  	_ = 	snop;
	(pc) =	sbr.ind lr, $3  }
0x3a: {  	_ = 	snop  }
0x3b: {  	_ = 	snop  }
0x3c: {  	p2 =	seq.s32 s10, $0x1;
	s10 =	sld [smem:$0x3FBA]  }
0x3d: {  	_ =	shalt  }
0x3e: {  	_ =	shalt  }
0x3f: {  	_ =	shalt  }
0x40: {  	_ =	shalt  }
0x41: {  	_ =	shalt  }
0x42: {  	_ =	shalt  }
0x43: {  	_ =	shalt  }
0x44: {  	_ =	shalt  }
0x45: {  	_ =	shalt  }
0x46: {  	_ =	shalt  }
0x47: {  	_ =	shalt  }
0x48: {  	_ =	shalt  }
0x49: {  	_ =	shalt  }
0x4a: {  	_ =	shalt  }
0x4b: {  	_ =	shalt  }
0x4c: {  	_ =	shalt  }
0x4d: {  	_ =	shalt  }
0x4e: {  	_ =	shalt  }
0x4f: {  	_ =	shalt  }
0x50: {  	_ =	shalt  }
0x51: {  	_ =	shalt  }
0x52: {  	_ =	shalt  }
0x53: {  	_ =	shalt  }
0x54: {  	_ =	shalt  }
0x55: {  	_ =	shalt  }
0x56: {  	_ =	shalt  }
0x57: {  	_ =	shalt  }
0x58: {  	_ =	shalt  }
0x59: {  	_ =	shalt  }
0x5a: {  	_ =	shalt  }
0x5b: {  	_ =	shalt  }
0x5c: {  	_ =	shalt  }
0x5d: {  	_ =	shalt  }
0x5e: {  	_ =	shalt  }
0x5f: {  	_ =	shalt  }
0x60: {  	_ =	shalt  }
0x61: {  	_ =	shalt  }
0x62: {  	_ =	shalt  }
0x63: {  	_ =	shalt  }
0x64: {  	_ =	shalt  }
0x65: {  	_ =	shalt  }
0x66: {  	_ =	shalt  }
0x67: {  	_ =	shalt  }
0x68: {  	_ =	shalt  }
0x69: {  	_ =	shalt  }
0x6a: {  	_ =	shalt  }
0x6b: {  	_ =	shalt  }
0x6c: {  	_ =	shalt  }
0x6d: {  	_ =	shalt  }
0x6e: {  	_ =	shalt  }
0x6f: {  	_ =	shalt  }
0x70: {  	_ =	shalt  }
0x71: {  	_ =	shalt  }
0x72: {  	_ =	shalt  }
0x73: {  	_ =	shalt  }
0x74: {  	_ =	shalt  }
0x75: {  	_ =	shalt  }
0x76: {  	_ =	shalt  }
0x77: {  	_ =	shalt  }
0x78: {  	_ =	shalt  }
0x79: {  	_ =	shalt  }
0x7a: {  	_ =	shalt  }
0x7b: {  	_ =	shalt  }
0x7c: {  	_ =	shalt  }
0x7d: {  	_ =	shalt  }
0x7e: {  	_ =	shalt  }
0x7f: {  	_ =	shalt  }
0x80: {  	_ =	shalt  }
0x81: {  	_ =	shalt  }
0x82: {  	_ =	shalt  }
0x83: {  	_ =	shalt  }
0x84: {  	_ =	shalt  }
0x85: {  	_ =	shalt  }
0x86: {  	_ =	shalt  }
0x87: {  	_ =	shalt  }
.Lfunc_end0:
.L_simem_size_0:
called_computation_lowered:
.L_overlay_start_0:
0x88: {  	s2 =	sld [smem:$0x3FD9]  }
0x89: {  	s3 =	sld [smem:$0x3FFE];
	_ =	sdelay $0x1  }
0x8a: {  	s1 =	srdreg.scid  }
0x8b: {  	s0 =	sand.u32 $0x1, s1  }
0x8c: {  	s17 =	sshll.u32 s0, $0xA;
	s2 =	sadd.s32 s3, s2  }
0x8d: {  	s2 =	sadd.s32 s2, s17  }
0x8e: {  	[smem:$0x3FC6] =	sst s2  }
0x8f: {  	_ = 	snop  }
0x90: {  	s2 =	sld [smem:$0x3FC9]  }
0x91: {  	s18 =	sld [smem:$0x3FC8];
	(tm) =	ssettm $0x1  }
0x92: {  	s4 =	sld [smem:$0x3FFB];
	_ =	sdelay $0x3  }
0x93: {  	_ =	strace s4  }
0x94: {  	s4 =	sld [smem:$0x3FFC];
	_ =	sdelay $0x3  }
0x95: {  	_ =	strace s4  }
0x96: {  	s4 =	sld [smem:$0x3FFD];
	_ =	sdelay $0x3  }
0x97: {  	_ =	strace s4  }
0x98: {  	_ =	strace $0x8FFFFFFF  }
0x99: {  	s19 =	sld [smem:$0x3FDB];
	_ =	sdelay $0x1  }
0x9a: {  	s5 =	simm.s32 $_scs_section_size  }
0x9b: {  	s6 =	simm.s32 $_size__tile_overlayer_lowered;
	s7 =	simm.s32 $_tile_overlayer_lowered  }
0x9c: {  	s22 =	simm.s32 $0x1BFF;
	s21 =	sshll.u32 s7, $0x1;
	s4 =	sadd.s32 s5, s19  }
0x9d: {  	s8 =	simm.s32 $0x0;
	s20 =	sshll.u32 s6, $0x1;
	s6 =	sadd.s32 s21, s4  }
0x9e: {  	[timem:s8], [sflag:s22] =	dma.local [hbm:s6], s20  }
0x9f: {  	_ =	swait.ge [sflag:s22], s20  }
0xa0: {  	s5 =	ssub.s32 $0x0, s20;
	[sflag:s22] =	ssyncset.done $0x0  }
0xa1: {  	[sflag:s22] =	ssyncadd.s32 s5;
	_ =	sdelay $0x1  }
0xa2: {  	s23 =	simm.s32 $0x1B8B  }
0xa3: {  	_ =	swait.ge [sflag:s23], $0x1  }
0xa4: {  	[sflag:s23] =	ssyncset.done $0x0  }
0xa5: {  	s25 =	simm.s32 $0x1B8E;
	s24 =	sld [smem:$0x3FFE];
	[sflag:s23] =	ssyncadd.s32 $0xFFFFFFFF  }
0xa6: {  	s26 =	simm.s32 $execute0_lowered;
	[smem:$0x3FD2] =	sst s25  }
0xa7: {  	s6 =	sshll.u32 s26, $0x1;
	_ =	strace $0x80000046;
	[dreg:$0x1] =	wrdreg $0xFFFFFFFF  }
0xa8: {  	s28 =	simm.s32 $_size_execute0_lowered;
	s4 =	sadd.s32 s4, s6;
	[dreg:$0x0] =	wrdreg $0x0  }
0xa9: {  	s6 =	sshll.u32 s28, $0x1;
	[dreg:$0x2] =	wrdreg s4  }
0xaa: {  	[dreg:$0x3] =	wrdreg s6  }
0xab: {  	[dreg:$0x4] =	wrdreg $0xC0  }
0xac: {  	_ =	task [dreg:s8], $0x5FFFF  }
0xad: {  	[dreg:$0x1] =	wrdreg $0xFFFFFFFF  }
0xae: {  	[dreg:$0x0] =	wrdreg $0x60  }
0xaf: {  	[dreg:$0x2] =	wrdreg s2  }
0xb0: {  	[dreg:$0x3] =	wrdreg s18  }
0xb1: {  	[dreg:$0x4] =	wrdreg s24  }
0xb2: {  	[dreg:$0x5] =	wrdreg $0x100000  }
0xb3: {  	[dreg:$0x6] =	wrdreg $0x148400  }
0xb4: {  	[dreg:$0x7] =	wrdreg $0x148500  }
0xb5: {  	[dreg:$0x8] =	wrdreg $0x148600  }
0xb6: {  	[dreg:$0x9] =	wrdreg $0x9  }
0xb7: {  	_ =	task.clear_ibuf [dreg:s8], $0xAFFFF;
	_ =	strace $0x90000046  }
0xb8: {  	s29 =	simm.s32 $0x9;
	_ =	strace $0x80000048  }
0xb9: {  	_ =	swait.ge [sflag:s29], $0x1  }
0xba: {  	[sflag:s29] =	ssyncadd.s32 $0xFFFFFFFF  }
0xbb: {  	_ =	strace $0x90000048  }
0xbc: {  	_ =	sfence  }
0xbd: {  	s30 =	sld [smem:$0x0];
	_ =	sdelay $0x2  }
0xbe: {  	s31 =	sshll.u32 s1, $0xD;
	s1 =	sshrl.u32 s1, $0x2  }
0xbf: {  	s3 =	sand.u32 $0x4000, s31;
	s1 =	sadd.s32 s1, s30  }
0xc0: {  	s0 =	sor.u32 s3, s0;
	s1 =	sshll.u32 s1, $0x11  }
0xc1: {  	s0 =	sor.u32 s1, s0  }
0xc2: {  	s0 =	sadd.s32 $0x8F2B, s0  }
0xc3: {  	[sflag:s0] =	ssyncadd.remote.s32 $0x1  }
0xc4: {  	_ =	sfence.sel $0xFFFF  }
0xc5: {  	[dreg:$0x0] =	wrdreg $0xFFFFFFFF;
	(pc) =	sbr.abs _section_cstart, $3  }
0xc6: {  	[dreg:$0x1] =	wrdreg $0xFFFFFFFF  }
0xc7: {  	_ =	task.clear_ibuf [dreg:s8], $0x2FFFF;
	_ =	strace $0x9FFFFFFF  }
0xc8: {  	(tm) =	ssettm $0x7FFFFFFF  }
0xc9: {  	_ =	shalt  }
tec
execute0_lowered:
.L_overlay_start_1:
0x0: {  	(tag) =	ssettag $0x1  }
0x1: {  	s0 =	rddreg [dreg:$0x0]  }
0x2: {  	s1 =	rddreg [dreg:$0x1]  }
0x3: {  	s2 =	rddreg [dreg:$0x2]  }
0x4: {  	s3 =	rddreg [dreg:$0x3]  }
0x5: {  	s5 =	rddreg [dreg:$0x4]  }
0x6: {  	s4 =	srdreg.scid;
	s6 =	rddreg [dreg:$0x5]  }
0x7: {  	s8 =	rddreg [dreg:$0x6];
	s16 =	stileid.u32;
	s7 =	sand.u32 $0x1, s4  }
0x8: {  	s10 =	sshrl.u32 s16, $0x2;
	s11 =	sand.u32 $0x3, s16;
	s14 =	smul.u32 $0x12100, s16  }
0x9: {  	s4 =	ssub.s32 $0x2, s7;
	s12 =	sshll.u32 s7, $0x14;
	s13 =	sshll.u32 s10, $0x12  }
0xa: {  	s15 =	sshll.u32 s11, $0x10;
	s19 =	smul.u32 $0x48400, s10;
	p0 =	seq.s32 s11, $0x3  }
0xb: {  	p1 =	sgt.u32 s11, $0x1;
	p2 =	seq.s32 s11, $0x0;
	s9 =	sshrl.u32 s4, $0x1  }
0xc: {  	s12 =	sor.u32 s12, s13;
	s20 =	sshrl.u32 s14, $0x2;
	s14 =	smul.u32 $0x900, s11  }
0xd: {  	s9 =	ssub.s32 s4, s9;
	s12 =	sor.u32 s15, s12;
	s13 =	sshrl.u32 s19, $0x2  }
0xe: {  	s4 =	sadd.s32 s20, s3;
	s15 =	sshll.u32 s16, $0x4;
	s3 =	sadd.s32 s13, s3  }
0xf: {  	s21 =	sadd.s32 s15, s5;
	s22 =	sor.u32 $0x40, s14;
	s19 =	sadd.s32 $0x2440, s14  }
0x10: {  	s2 =	sadd.s32 s2, s15;
	s28 =	sadd.s32 $0x6B00, s14;
	[dreg:$0x8] =	wrdreg s21  }
0x11: {  	s23 =	sadd.s32 $0x4840, s3;
	s17 =	sadd.s32 s22, s3;
	s25 =	sadd.s32 $0x9080, s3  }
0x12: {  	s26 =	sadd.s32 $0xD8C0, s3;
	s3 =	sadd.s32 s19, s3;
	[dreg:$0x9] =	wrdreg s17  }
0x13: {  	s29 =	smax.u32 s9, $0x1;
	s21 =	sadd.s32 s15, s8;
	[dreg:$0xd] =	wrdreg s3  }
0x14: {  	s30 =	sadd.s32 $0x1210, s4;
	s24 =	sadd.s32 s22, s23;
	[dreg:$0x15] =	wrdreg s21  }
0x15: {  	s31 =	sadd.s32 $0x2420, s4;
	s18 =	sadd.s32 s22, s25;
	[dreg:$0xa] =	wrdreg s24  }
0x16: {  	s9 =	simm.s32 $0xFF00;
	s13 =	sadd.s32 s22, s26;
	[dreg:$0xb] =	wrdreg s18  }
0x17: {  	s14 =	simm.s32 $0x3;
	s16 =	sadd.s32 s19, s25;
	[dreg:$0xc] =	wrdreg s13  }
0x18: {  	s17 =	sadd.s32 s19, s26;
	s22 =	sshll.u32 s7, $0x8;
	[dreg:$0xf] =	wrdreg s16  }
0x19: {  	s7 =	simm.s32 $0x8000;
	s13 =	sadd.s32 s19, s23;
	[dreg:$0x10] =	wrdreg s17  }
0x1a: {  	s18 =	sshll.u32 s10, $0x6;
	s19 =	sadd.s32 s15, s6;
	s2 =	sadd.s32 s22, s2  }
0x1b: {  	s23 =	sshrl.u32 s12, $0x3;
	s15 =	simm.s32 $0xFF80;
	[dreg:$0xe] =	wrdreg s13  }
0x1c: {  	s16 =	simm.s32 $0x0;
	[dreg:$0x11] =	wrdreg s19;
	s5 =	sadd.s32 s18, s5  }
0x1d: {  	s20 =	sadd.s32 s18, s6;
	s3 =	sadd.s32 s18, s8;
	[dreg:$0x12] =	wrdreg s5  }
0x1e: {  	s19 =	simm.s32 $0x0;
	s24 =	sadd.s32 s0, s23;
	[dreg:$0x13] =	wrdreg s20  }
0x1f: {  	s25 =	sadd.s32 s1, s23;
	s6 =	simm.s32 $0x1;
	[dreg:$0x14] =	wrdreg s3  }
0x20: {  	s8 =	simm.s32 $0x2;
	s13 =	simm.s32 $0xDA80;
	[smem:$0x7FF] =	sst s19  }
0x21: {  	s3 =	sadd.s32 $0x3630, s4;
	_ =	strace $0x80000047;
	[dreg:$0x16] =	wrdreg s2  }
0x22: {  	s5 =	simm.s32 $0x6000;
	[dreg:$0x17] =	wrdreg s24;
	s2 =	sor.u32 $0x400, s23  }
0x23: {  	[dreg:$0x18] =	wrdreg s25;
	s25 =	sor.u32 $0x4000, s12;
	s26 =	sadd.s32 s0, s2  }
0x24: {  	v0 =	vimm.s32 $0x0;
	v1 =	vlaneseq.u32;
	s24 =	simm.s32 $0xE380;
	s2 =	sadd.s32 s1, s2;
	[dreg:$0x19] =	wrdreg s26  }
0x25: {  	v2 =	vimm.s32 $0x1;
	vm0 =	vmxor vm0, vm0;
	v3 =	vimm.s32 $0xF;
	[dreg:$0x1a] =	wrdreg s2;
	s26 =	sor.u32 $0x6000, s12;
	s2 =	simm.s32 $0x2000  }
.LBB2_1:
0x26: {  	s10 =	simm.s32 $0x8040  }
0x27: {  	[tilespmem:s10+$0xFFFFFFC0] =	vst v0  }
0x28: {  	[tilespmem:s10+$0x30] =	vst v0  }
0x29: {  	[tilespmem:s10+$0x20] =	vst v0  }
0x2a: {  	[tilespmem:s10+$0x10] =	vst v0  }
0x2b: {  	[tilespmem:s10+$0x0] =	vst v0  }
0x2c: {  	[tilespmem:s10+$0xFFFFFFF0] =	vst v0  }
0x2d: {  	s11 =	simm.s32 $0x0;
	[tilespmem:s10+$0xFFFFFFE0] =	vst v0  }
.LBB2_2:
0x2e: {  	s11 =	sadd.s32 $0x8, s11;
	[tilespmem:s10+$0xFFFFFFD0] =	vst v0;
	s10 =	sadd.s32 $0x80, s10  }
0x2f: {  	[tilespmem:s10+$0xFFFFFFC0] =	vst v0;
	p3 =	slt.u32 s11, $0x478  }
0x30: {  	[tilespmem:s10+$0x30] =	vst v0  }
.Ltmp0:
0x31: {  	[tilespmem:s10+$0x20] =	vst v0;
	(pc) =	sbr.rel @p3 .LBB2_2-.Ltmp0, $4  }
0x32: {  	[tilespmem:s10+$0x10] =	vst v0  }
0x33: {  	[tilespmem:s10+$0x0] =	vst v0  }
0x34: {  	[tilespmem:s10+$0xFFFFFFF0] =	vst v0  }
0x35: {  	[tilespmem:s10+$0xFFFFFFE0] =	vst v0  }
0x36: {  	[tilespmem:s10+$0xFFFFFFD0] =	vst v0;
	s10 =	simm.s32 $0x0  }
.LBB2_4:
0x37: {  	p3 =	sne.s32 s10, $0xC0  }
.Ltmp1:
0x38: {  	_ = 	snop;
	(pc) =	sbr.rel @p3 .LBB2_4-.Ltmp1, $3  }
0x39: {  	_ =	sdelay $0x1  }
0x3a: {  	s11 =	sshra.s32 s10, $0x2  }
0x3b: {  	s10 =	sadd.s32 $0x40, s10;
	[tilespmem:s11+$0xC800] =	vst v0  }
0x3c: {  	s17 =	simm.s32 $0x0;
	s10 =	rddreg [dreg:$0x17]  }
0x3d: {  	[tilespmem:s17], [sflag:$0x1] =	stream.linear.gather [hbm4b:s10+s17], $0x2000, $0x38;
	[tilespmem:$0x14870] =	vst v63  }
0x3e: {  	s21 =	rddreg [dreg:$0x18];
	s11 =	simm.s32 $0x4000  }
0x3f: {  	[tilespmem:s11], [sflag:$0x1] =	stream.linear.gather [hbm4b:s21+s17], $0x2000, $0x38;
	[tilespmem:$0x14870] =	vst v63  }
0x40: {  	s22 =	rddreg [dreg:$0x19]  }
0x41: {  	[tilespmem:s2], [sflag:$0x2] =	stream.linear.gather [hbm4b:s22+s17], $0x2000, $0x38;
	[tilespmem:$0x14870] =	vst v63  }
0x42: {  	s23 =	rddreg [dreg:$0x1a];
	s18 =	simm.s32 $0x0  }
0x43: {  	[tilespmem:s5], [sflag:$0x2] =	stream.linear.gather [hbm4b:s23+s17], $0x2000, $0x38;
	[tilespmem:$0x14870] =	vst v63  }
.LBB2_6:
0x44: {  	_ =	swait.ge [sflag:s6], $0x2000  }
0x45: {  	s10 =	simm.s32 $0x0;
	s11 =	sand.u32 $0xC00, s17;
	[sflag:s6] =	ssyncset.done $0x0  }
0x46: {  	s20 =	simm.s32 $0x0;
	s10 =	sand.u32 $0x1000, s10;
	[sflag:s6] =	ssyncadd.s32 $0xFFFFE000  }
0x47: {  	s20 =	sand.u32 $0x380, s20;
	s10 =	sor.u32 s11, s10;
	_ =	swait.ge [sflag:s6], $0x2000  }
0x48: {  	s21 =	sand.u32 $0x40, s17;
	s10 =	sor.u32 s20, s10;
	[sflag:s6] =	ssyncset.done $0x0  }
0x49: {  	s10 =	sor.u32 s21, s10;
	[sflag:s6] =	ssyncadd.s32 $0xFFFFE000  }
0x4a: {  	v4 =	vld [tilespmem:s10+$0x4030]  }
0x4b: {  	v6 =	vld [tilespmem:s10+$0x4000]  }
0x4c: {  	v7 =	vld [tilespmem:s10+$0x4010]  }
0x4d: {  	v5 =	vld [tilespmem:s10+$0x30]  }
0x4e: {  	v8 =	vld [tilespmem:s10+$0x4020];
	_ =	sdelay $0x1  }
0x4f: {  	v10 =	vld [tilespmem:s10+$0x0];
	v9 =	vshll.u32 v4, $0x1F  }
0x50: {  	v13 =	vld [tilespmem:s10+$0x20];
	v11 =	vshll.u32 v6, $0x1F;
	v12 =	vmul.u32 $0x2400, v6;
	v14 =	vshll.u32 v7, $0x1F  }
0x51: {  	v15 =	vmul.u32 $0x2400, v4;
	v16 =	vmul.u32 $0x2400, v7;
	v5 =	vxor.u32 v5, v9  }
0x52: {  	v17 =	vshll.u32 v8, $0x1F;
	v18 =	vmul.u32 $0x2400, v8;
	v9 =	vld [tilespmem:s10+$0x10];
	v5 =	vadd.f32 $1.000000000e+00, v5  }
0x53: {  	v4 =	vshll.u32 v4, $0x4;
	v7 =	vshll.u32 v7, $0x4;
	v8 =	vshll.u32 v8, $0x4  }
0x54: {  	v10 =	vxor.u32 v10, v11;
	v4 =	vor.u32 v1, v4;
	v5 =	vshra.s32 v5, $0xF  }
0x55: {  	s22 =	simm.s32 $0x40;
	s20 =	simm.s32 $0x200;
	v11 =	vxor.u32 v13, v17;
	v10 =	vadd.f32 $1.000000000e+00, v10;
	v5 =	vadd.s32 v5, v15  }
0x56: {  	s23 =	sand.u32 $0xC00, s20;
	s21 =	simm.s32 $0x10;
	s10 =	sand.u32 $0x1000, s22;
	v7 =	vor.u32 v1, v7;
	v8 =	vor.u32 v1, v8;
	v5 =	vadd.s32 $0xFFFF9540, v5  }
0x57: {  	s21 =	sand.u32 $0x380, s21;
	s11 =	sor.u32 s23, s10;
	s10 =	simm.s32 $0x40;
	v10 =	vshra.s32 v10, $0xF;
	v9 =	vxor.u32 v9, v14;
	vm1 =	vgt.s32 v5, v4  }
0x58: {  	s22 =	sand.u32 $0x40, s10;
	s11 =	sor.u32 s21, s11;
	v9 =	vadd.f32 $1.000000000e+00, v9;
	v4 =	vsel vm1, v5, v4;
	v5 =	vadd.s32 $0x243F, v15  }
0x59: {  	v11 =	vadd.f32 $1.000000000e+00, v11;
	s11 =	sor.u32 s22, s11;
	v10 =	vadd.s32 v10, v12;
	vm1 =	vlt.s32 v4, v5  }
0x5a: {  	v12 =	vadd.s32 $0x243F, v12;
	v15 =	vld [tilespmem:s11+$0x4030];
	v9 =	vshra.s32 v9, $0xF;
	v13 =	vsel vm1, v4, v5  }
0x5b: {  	v4 =	vshll.u32 v6, $0x4;
	v5 =	vshra.s32 v11, $0xF;
	v6 =	vadd.s32 v9, v16  }
0x5c: {  	v9 =	vadd.s32 $0xFFFF9540, v10;
	v5 =	vadd.s32 v5, v18;
	v6 =	vadd.s32 $0xFFFF9540, v6  }
0x5d: {  	v11 =	vld [tilespmem:s11+$0x30];
	v10 =	vadd.s32 $0xFFFF9540, v5;
	v5 =	vor.u32 v1, v4;
	vm2 =	vgt.s32 v6, v7  }
0x5e: {  	v14 =	vadd.s32 $0x243F, v16;
	v4 =	vld [tilespmem:s11+$0x4000];
	vm1 =	vgt.s32 v9, v5;
	v6 =	vsel vm2, v6, v7  }
0x5f: {  	v7 =	vld [tilespmem:s11+$0x4020];
	v17 =	vshll.u32 v15, $0x1F;
	v9 =	vsel vm1, v9, v5;
	vm1 =	vgt.s32 v10, v8  }
0x60: {  	v16 =	vld [tilespmem:s11+$0x0];
	v22 =	vshll.u32 v15, $0x4;
	vm2 =	vlt.s32 v6, v14;
	v8 =	vsel vm1, v10, v8  }
0x61: {  	v5 =	vld [tilespmem:s11+$0x4010];
	v10 =	vadd.s32 $0x243F, v18;
	vm1 =	vlt.s32 v9, v12;
	v19 =	vsel vm2, v6, v14  }
0x62: {  	v20 =	vld [tilespmem:s11+$0x10];
	v6 =	vxor.u32 v11, v17;
	vm3 =	vlt.s32 v8, v10;
	v18 =	vsel vm1, v9, v12  }
0x63: {  	v11 =	vmul.u32 $0x2400, v15;
	v17 =	vadd.f32 $1.000000000e+00, v6;
	v12 =	vld [tilespmem:s11+$0x20];
	v10 =	vsel vm3, v8, v10  }
0x64: {  	[tilespmem:v13+s7+$0x0] =	vst.idx.add.s32.msk $0xffff, v2;
	v14 =	vshll.u32 v4, $0x1F;
	v9 =	vmul.u32 $0x2400, v4;
	v13 =	vshll.u32 v7, $0x1F  }
0x65: {  	v8 =	vmul.u32 $0x2400, v7;
	v17 =	vshra.s32 v17, $0xF;
	v14 =	vxor.u32 v16, v14  }
0x66: {  	v21 =	vshll.u32 v5, $0x1F;
	v6 =	vmul.u32 $0x2400, v5;
	v17 =	vadd.s32 v17, v11;
	[tilespmem:v19+s7+$0x0] =	vst.idx.add.s32.msk $0xffff, v2  }
0x67: {  	s11 =	simm.s32 $0x4;
	v16 =	vxor.u32 v20, v21;
	v15 =	vadd.s32 $0xFFFF9540, v17;
	v17 =	vor.u32 v1, v22;
	[tilespmem:v18+s7+$0x0] =	vst.idx.add.s32.msk $0xffff, v2  }
.LBB2_7:
0x68: {  	s11 =	sadd.s32 $0x4, s11;
	v14 =	vadd.f32 $1.000000000e+00, v14;
	v12 =	vxor.u32 v12, v13;
	vm1 =	vgt.s32 v15, v17;
	[tilespmem:v10+s7+$0x0] =	vst.idx.add.s32.msk $0xffff, v2  }
0x69: {  	v10 =	vadd.f32 $1.000000000e+00, v16;
	v11 =	vadd.s32 $0x243F, v11;
	s20 =	sadd.s32 $0x200, s20;
	s21 =	sshll.u32 s11, $0x4;
	p3 =	slt.u32 s11, $0x1FC;
	v13 =	vsel vm1, v15, v17  }
0x6a: {  	s22 =	sand.u32 $0xC00, s20;
	s12 =	sshll.u32 s11, $0x2;
	v12 =	vadd.f32 $1.000000000e+00, v12;
	s21 =	sand.u32 $0x1000, s21;
	v14 =	vshra.s32 v14, $0xF;
	vm1 =	vlt.s32 v13, v11  }
0x6b: {  	s10 =	sadd.s32 $0x40, s10;
	s12 =	sand.u32 $0x380, s12;
	v10 =	vshra.s32 v10, $0xF;
	s21 =	sor.u32 s22, s21;
	v14 =	vadd.s32 v14, v9;
	v11 =	vsel vm1, v13, v11  }
0x6c: {  	v4 =	vshll.u32 v4, $0x4;
	s22 =	sand.u32 $0x40, s10;
	v10 =	vadd.s32 v10, v6;
	v12 =	vshra.s32 v12, $0xF;
	s12 =	sor.u32 s12, s21  }
0x6d: {  	v5 =	vshll.u32 v5, $0x4;
	v7 =	vshll.u32 v7, $0x4;
	v12 =	vadd.s32 v12, v8;
	s12 =	sor.u32 s22, s12  }
0x6e: {  	v14 =	vadd.s32 $0xFFFF9540, v14;
	v10 =	vadd.s32 $0xFFFF9540, v10;
	v12 =	vadd.s32 $0xFFFF9540, v12;
	v13 =	vld [tilespmem:s12+$0x30]  }
0x6f: {  	v16 =	vor.u32 v1, v4;
	v5 =	vor.u32 v1, v5;
	v7 =	vor.u32 v1, v7;
	v15 =	vld [tilespmem:s12+$0x4030]  }
0x70: {  	v9 =	vadd.s32 $0x243F, v9;
	vm1 =	vgt.s32 v14, v16;
	vm2 =	vgt.s32 v10, v5;
	[tilespmem:v11+s7+$0x0] =	vst.idx.add.s32.msk $0xffff, v2  }
0x71: {  	v10 =	vsel vm2, v10, v5;
	v11 =	vsel vm1, v14, v16;
	vm1 =	vgt.s32 v12, v7;
	v4 =	vld [tilespmem:s12+$0x4000]  }
0x72: {  	v6 =	vadd.s32 $0x243F, v6;
	v8 =	vadd.s32 $0x243F, v8;
	v12 =	vsel vm1, v12, v7;
	v5 =	vld [tilespmem:s12+$0x4010]  }
0x73: {  	vm2 =	vlt.s32 v10, v6;
	vm1 =	vlt.s32 v11, v9;
	vm3 =	vlt.s32 v12, v8;
	v7 =	vld [tilespmem:s12+$0x4020]  }
0x74: {  	v18 =	vsel vm2, v10, v6;
	v17 =	vsel vm1, v11, v9;
	v14 =	vld [tilespmem:s12+$0x0];
	v16 =	vshll.u32 v15, $0x1F  }
0x75: {  	v10 =	vsel vm3, v12, v8;
	v19 =	vld [tilespmem:s12+$0x10];
	v6 =	vxor.u32 v13, v16  }
.Ltmp2:
0x76: {  	v16 =	vshll.u32 v4, $0x1F;
	v9 =	vmul.u32 $0x2400, v4;
	v12 =	vld [tilespmem:s12+$0x20];
	v20 =	vadd.f32 $1.000000000e+00, v6;
	(pc) =	sbr.rel @p3 .LBB2_7-.Ltmp2, $4  }
0x77: {  	v11 =	vmul.u32 $0x2400, v15;
	v21 =	vshll.u32 v5, $0x1F;
	v6 =	vmul.u32 $0x2400, v5  }
0x78: {  	v13 =	vshll.u32 v7, $0x1F;
	v8 =	vmul.u32 $0x2400, v7;
	v20 =	vshra.s32 v20, $0xF  }
0x79: {  	v22 =	vshll.u32 v15, $0x4;
	v14 =	vxor.u32 v14, v16;
	v20 =	vadd.s32 v20, v11;
	[tilespmem:v17+s7+$0x0] =	vst.idx.add.s32.msk $0xffff, v2  }
0x7a: {  	v17 =	vor.u32 v1, v22;
	v16 =	vxor.u32 v19, v21;
	v15 =	vadd.s32 $0xFFFF9540, v20;
	[tilespmem:v18+s7+$0x0] =	vst.idx.add.s32.msk $0xffff, v2  }
0x7b: {  	v14 =	vadd.f32 $1.000000000e+00, v14;
	v12 =	vxor.u32 v12, v13;
	vm1 =	vgt.s32 v15, v17  }
0x7c: {  	v13 =	vadd.f32 $1.000000000e+00, v16;
	v11 =	vadd.s32 $0x243F, v11;
	v4 =	vshll.u32 v4, $0x4  }
0x7d: {  	v5 =	vshll.u32 v5, $0x4;
	v7 =	vshll.u32 v7, $0x4;
	v15 =	vsel vm1, v15, v17  }
0x7e: {  	v12 =	vadd.f32 $1.000000000e+00, v12;
	v4 =	vor.u32 v1, v4;
	v5 =	vor.u32 v1, v5  }
0x7f: {  	v7 =	vor.u32 v1, v7;
	v14 =	vshra.s32 v14, $0xF;
	vm1 =	vlt.s32 v15, v11  }
0x80: {  	v13 =	vshra.s32 v13, $0xF;
	v14 =	vadd.s32 v14, v9;
	v11 =	vsel vm1, v15, v11  }
0x81: {  	v13 =	vadd.s32 v13, v6;
	v12 =	vshra.s32 v12, $0xF;
	v9 =	vadd.s32 $0x243F, v9  }
0x82: {  	v6 =	vadd.s32 $0x243F, v6;
	v12 =	vadd.s32 v12, v8;
	v14 =	vadd.s32 $0xFFFF9540, v14  }
0x83: {  	v13 =	vadd.s32 $0xFFFF9540, v13;
	v12 =	vadd.s32 $0xFFFF9540, v12;
	vm1 =	vgt.s32 v14, v4  }
0x84: {  	vm2 =	vgt.s32 v13, v5;
	v4 =	vsel vm1, v14, v4;
	vm1 =	vgt.s32 v12, v7  }
0x85: {  	v5 =	vsel vm2, v13, v5;
	v7 =	vsel vm1, v12, v7;
	vm1 =	vlt.s32 v4, v9  }
0x86: {  	v8 =	vadd.s32 $0x243F, v8;
	vm2 =	vlt.s32 v5, v6;
	v4 =	vsel vm1, v4, v9  }
0x87: {  	vm1 =	vlt.s32 v7, v8;
	v5 =	vsel vm2, v5, v6  }
0x88: {  	v6 =	vsel vm1, v7, v8  }
0x89: {  	[tilespmem:v10+s7+$0x0] =	vst.idx.add.s32.msk $0xffff, v2  }
0x8a: {  	s20 =	sshll.u32 s18, $0xE;
	p3 =	seq.s32 s18, $0x3;
	[tilespmem:v11+s7+$0x0] =	vst.idx.add.s32.msk $0xffff, v2  }
0x8b: {  	s10 =	sadd.s32 @!p3 s20, s25;
	[tilespmem:v4+s7+$0x0] =	vst.idx.add.s32.msk $0xffff, v2  }
0x8c: {  	s10 =	sshrl.u32 @!p3 s10, $0x3;
	[tilespmem:v5+s7+$0x0] =	vst.idx.add.s32.msk $0xffff, v2  }
0x8d: {  	s12 =	simm.s32 @!p3 $0x0;
	s11 =	sadd.s32 @!p3 s0, s10;
	[tilespmem:v6+s7+$0x0] =	vst.idx.add.s32.msk $0xffff, v2  }
0x8e: {  	[tilespmem:s12], [sflag:$0x1] =	stream.linear.gather @!p3 [hbm4b:s11+s12], $0x2000, $0x38;
	[tilespmem:$0x14870] =	vst v63  }
0x8f: {  	s10 =	sadd.s32 @!p3 s1, s10;
	s11 =	simm.s32 @!p3 $0x4000  }
0x90: {  	[tilespmem:s11], [sflag:$0x1] =	stream.linear.gather @!p3 [hbm4b:s10+s12], $0x2000, $0x38;
	[tilespmem:$0x14870] =	vst v63  }
0x91: {  	s21 =	simm.s32 $0x0;
	_ =	swait.ge [sflag:s8], $0x2000  }
0x92: {  	s10 =	simm.s32 $0x0;
	s11 =	sand.u32 $0x1000, s21;
	[sflag:s8] =	ssyncset.done $0x0  }
0x93: {  	s21 =	simm.s32 $0x0;
	s22 =	sand.u32 $0xC00, s10;
	[sflag:s8] =	ssyncadd.s32 $0xFFFFE000  }
0x94: {  	s23 =	sand.u32 $0x380, s21;
	s11 =	sor.u32 s22, s11;
	_ =	swait.ge [sflag:s8], $0x2000  }
0x95: {  	s10 =	sand.u32 $0x40, s10;
	s11 =	sor.u32 s23, s11;
	[sflag:s8] =	ssyncset.done $0x0  }
0x96: {  	s10 =	sor.u32 s10, s11;
	[sflag:s8] =	ssyncadd.s32 $0xFFFFE000  }
0x97: {  	v4 =	vld [tilespmem:s10+$0x6030]  }
0x98: {  	v6 =	vld [tilespmem:s10+$0x6000]  }
0x99: {  	v7 =	vld [tilespmem:s10+$0x6010]  }
0x9a: {  	v5 =	vld [tilespmem:s10+$0x2030]  }
0x9b: {  	v8 =	vld [tilespmem:s10+$0x6020];
	_ =	sdelay $0x1  }
0x9c: {  	v10 =	vld [tilespmem:s10+$0x2000];
	v9 =	vshll.u32 v4, $0x1F  }
0x9d: {  	v13 =	vld [tilespmem:s10+$0x2020];
	v11 =	vshll.u32 v6, $0x1F;
	v12 =	vmul.u32 $0x2400, v6;
	v14 =	vshll.u32 v7, $0x1F  }
0x9e: {  	v15 =	vmul.u32 $0x2400, v4;
	v16 =	vmul.u32 $0x2400, v7;
	v5 =	vxor.u32 v5, v9  }
0x9f: {  	v17 =	vshll.u32 v8, $0x1F;
	v18 =	vmul.u32 $0x2400, v8;
	v9 =	vld [tilespmem:s10+$0x2010];
	v5 =	vadd.f32 $1.000000000e+00, v5  }
0xa0: {  	v4 =	vshll.u32 v4, $0x4;
	v7 =	vshll.u32 v7, $0x4;
	v8 =	vshll.u32 v8, $0x4  }
0xa1: {  	v10 =	vxor.u32 v10, v11;
	v4 =	vor.u32 v1, v4;
	v5 =	vshra.s32 v5, $0xF  }
0xa2: {  	s21 =	simm.s32 $0x40;
	v11 =	vxor.u32 v13, v17;
	s10 =	simm.s32 $0x200;
	v10 =	vadd.f32 $1.000000000e+00, v10;
	v5 =	vadd.s32 v5, v15  }
0xa3: {  	s23 =	simm.s32 $0x10;
	s11 =	sand.u32 $0x1000, s21;
	v7 =	vor.u32 v1, v7;
	v8 =	vor.u32 v1, v8;
	s22 =	sand.u32 $0xC00, s10;
	v5 =	vadd.s32 $0xFFFF9540, v5  }
0xa4: {  	s21 =	sand.u32 $0x380, s23;
	s12 =	sor.u32 s22, s11;
	s11 =	simm.s32 $0x40;
	v10 =	vshra.s32 v10, $0xF;
	v9 =	vxor.u32 v9, v14;
	vm1 =	vgt.s32 v5, v4  }
0xa5: {  	s22 =	sand.u32 $0x40, s11;
	s12 =	sor.u32 s21, s12;
	v9 =	vadd.f32 $1.000000000e+00, v9;
	v4 =	vsel vm1, v5, v4;
	v5 =	vadd.s32 $0x243F, v15  }
0xa6: {  	v11 =	vadd.f32 $1.000000000e+00, v11;
	v10 =	vadd.s32 v10, v12;
	s12 =	sor.u32 s22, s12;
	vm1 =	vlt.s32 v4, v5  }
0xa7: {  	v12 =	vadd.s32 $0x243F, v12;
	v15 =	vld [tilespmem:s12+$0x6030];
	v9 =	vshra.s32 v9, $0xF;
	v13 =	vsel vm1, v4, v5  }
0xa8: {  	v4 =	vshll.u32 v6, $0x4;
	v5 =	vshra.s32 v11, $0xF;
	v6 =	vadd.s32 v9, v16  }
0xa9: {  	v9 =	vadd.s32 $0xFFFF9540, v10;
	v5 =	vadd.s32 v5, v18;
	v6 =	vadd.s32 $0xFFFF9540, v6  }
0xaa: {  	v11 =	vld [tilespmem:s12+$0x2030];
	v10 =	vadd.s32 $0xFFFF9540, v5;
	v5 =	vor.u32 v1, v4;
	vm2 =	vgt.s32 v6, v7  }
0xab: {  	v14 =	vadd.s32 $0x243F, v16;
	v4 =	vld [tilespmem:s12+$0x6000];
	vm1 =	vgt.s32 v9, v5;
	v6 =	vsel vm2, v6, v7  }
0xac: {  	v7 =	vld [tilespmem:s12+$0x6020];
	v17 =	vshll.u32 v15, $0x1F;
	v9 =	vsel vm1, v9, v5;
	vm1 =	vgt.s32 v10, v8  }
0xad: {  	v16 =	vld [tilespmem:s12+$0x2000];
	v22 =	vshll.u32 v15, $0x4;
	vm2 =	vlt.s32 v6, v14;
	v8 =	vsel vm1, v10, v8  }
0xae: {  	v5 =	vld [tilespmem:s12+$0x6010];
	v10 =	vadd.s32 $0x243F, v18;
	vm1 =	vlt.s32 v9, v12;
	v19 =	vsel vm2, v6, v14  }
0xaf: {  	v20 =	vld [tilespmem:s12+$0x2010];
	v6 =	vxor.u32 v11, v17;
	vm3 =	vlt.s32 v8, v10;
	v18 =	vsel vm1, v9, v12  }
0xb0: {  	v11 =	vmul.u32 $0x2400, v15;
	v17 =	vadd.f32 $1.000000000e+00, v6;
	v12 =	vld [tilespmem:s12+$0x2020];
	v10 =	vsel vm3, v8, v10  }
0xb1: {  	[tilespmem:v13+s7+$0x0] =	vst.idx.add.s32.msk $0xffff, v2;
	v14 =	vshll.u32 v4, $0x1F;
	v9 =	vmul.u32 $0x2400, v4;
	v13 =	vshll.u32 v7, $0x1F  }
0xb2: {  	v8 =	vmul.u32 $0x2400, v7;
	v17 =	vshra.s32 v17, $0xF;
	v14 =	vxor.u32 v16, v14  }
0xb3: {  	v21 =	vshll.u32 v5, $0x1F;
	v6 =	vmul.u32 $0x2400, v5;
	v17 =	vadd.s32 v17, v11;
	[tilespmem:v19+s7+$0x0] =	vst.idx.add.s32.msk $0xffff, v2  }
0xb4: {  	s21 =	simm.s32 $0x4;
	v16 =	vxor.u32 v20, v21;
	v15 =	vadd.s32 $0xFFFF9540, v17;
	v17 =	vor.u32 v1, v22;
	[tilespmem:v18+s7+$0x0] =	vst.idx.add.s32.msk $0xffff, v2  }
.LBB2_9:
0xb5: {  	s21 =	sadd.s32 $0x4, s21;
	v14 =	vadd.f32 $1.000000000e+00, v14;
	v12 =	vxor.u32 v12, v13;
	vm1 =	vgt.s32 v15, v17;
	[tilespmem:v10+s7+$0x0] =	vst.idx.add.s32.msk $0xffff, v2  }
0xb6: {  	v10 =	vadd.f32 $1.000000000e+00, v16;
	v11 =	vadd.s32 $0x243F, v11;
	s10 =	sadd.s32 $0x200, s10;
	s12 =	sshll.u32 s21, $0x4;
	p4 =	slt.u32 s21, $0x1FC;
	v13 =	vsel vm1, v15, v17  }
0xb7: {  	s22 =	sand.u32 $0xC00, s10;
	s23 =	sshll.u32 s21, $0x2;
	v12 =	vadd.f32 $1.000000000e+00, v12;
	s12 =	sand.u32 $0x1000, s12;
	v14 =	vshra.s32 v14, $0xF;
	vm1 =	vlt.s32 v13, v11  }
0xb8: {  	s11 =	sadd.s32 $0x40, s11;
	v10 =	vshra.s32 v10, $0xF;
	s12 =	sor.u32 s22, s12;
	s22 =	sand.u32 $0x380, s23;
	v14 =	vadd.s32 v14, v9;
	v11 =	vsel vm1, v13, v11  }
0xb9: {  	v4 =	vshll.u32 v4, $0x4;
	s23 =	sand.u32 $0x40, s11;
	v10 =	vadd.s32 v10, v6;
	v12 =	vshra.s32 v12, $0xF;
	s12 =	sor.u32 s22, s12  }
0xba: {  	v5 =	vshll.u32 v5, $0x4;
	v7 =	vshll.u32 v7, $0x4;
	v12 =	vadd.s32 v12, v8;
	s12 =	sor.u32 s23, s12  }
0xbb: {  	v14 =	vadd.s32 $0xFFFF9540, v14;
	v10 =	vadd.s32 $0xFFFF9540, v10;
	v12 =	vadd.s32 $0xFFFF9540, v12;
	v13 =	vld [tilespmem:s12+$0x2030]  }
0xbc: {  	v16 =	vor.u32 v1, v4;
	v5 =	vor.u32 v1, v5;
	v7 =	vor.u32 v1, v7;
	v15 =	vld [tilespmem:s12+$0x6030]  }
0xbd: {  	v9 =	vadd.s32 $0x243F, v9;
	vm1 =	vgt.s32 v14, v16;
	vm2 =	vgt.s32 v10, v5;
	[tilespmem:v11+s7+$0x0] =	vst.idx.add.s32.msk $0xffff, v2  }
0xbe: {  	v10 =	vsel vm2, v10, v5;
	v11 =	vsel vm1, v14, v16;
	vm1 =	vgt.s32 v12, v7;
	v4 =	vld [tilespmem:s12+$0x6000]  }
0xbf: {  	v6 =	vadd.s32 $0x243F, v6;
	v8 =	vadd.s32 $0x243F, v8;
	v12 =	vsel vm1, v12, v7;
	v5 =	vld [tilespmem:s12+$0x6010]  }
0xc0: {  	vm2 =	vlt.s32 v10, v6;
	vm1 =	vlt.s32 v11, v9;
	vm3 =	vlt.s32 v12, v8;
	v7 =	vld [tilespmem:s12+$0x6020]  }
0xc1: {  	v18 =	vsel vm2, v10, v6;
	v17 =	vsel vm1, v11, v9;
	v14 =	vld [tilespmem:s12+$0x2000];
	v16 =	vshll.u32 v15, $0x1F  }
0xc2: {  	v10 =	vsel vm3, v12, v8;
	v19 =	vld [tilespmem:s12+$0x2010];
	v6 =	vxor.u32 v13, v16  }
.Ltmp3:
0xc3: {  	v16 =	vshll.u32 v4, $0x1F;
	v9 =	vmul.u32 $0x2400, v4;
	v12 =	vld [tilespmem:s12+$0x2020];
	v20 =	vadd.f32 $1.000000000e+00, v6;
	(pc) =	sbr.rel @p4 .LBB2_9-.Ltmp3, $4  }
0xc4: {  	v11 =	vmul.u32 $0x2400, v15;
	v21 =	vshll.u32 v5, $0x1F;
	v6 =	vmul.u32 $0x2400, v5  }
0xc5: {  	v13 =	vshll.u32 v7, $0x1F;
	v8 =	vmul.u32 $0x2400, v7;
	v20 =	vshra.s32 v20, $0xF  }
0xc6: {  	v22 =	vshll.u32 v15, $0x4;
	v14 =	vxor.u32 v14, v16;
	v20 =	vadd.s32 v20, v11;
	[tilespmem:v17+s7+$0x0] =	vst.idx.add.s32.msk $0xffff, v2  }
0xc7: {  	v17 =	vor.u32 v1, v22;
	v16 =	vxor.u32 v19, v21;
	v15 =	vadd.s32 $0xFFFF9540, v20;
	[tilespmem:v18+s7+$0x0] =	vst.idx.add.s32.msk $0xffff, v2  }
0xc8: {  	v14 =	vadd.f32 $1.000000000e+00, v14;
	v12 =	vxor.u32 v12, v13;
	vm1 =	vgt.s32 v15, v17  }
0xc9: {  	v59 =	vadd.f32 $1.000000000e+00, v16;
	v11 =	vadd.s32 $0x243F, v11;
	v4 =	vshll.u32 v4, $0x4  }
0xca: {  	v5 =	vshll.u32 v5, $0x4;
	v7 =	vshll.u32 v7, $0x4;
	v60 =	vadd.s32 $0x243F, v9  }
0xcb: {  	v61 =	vadd.s32 $0x243F, v6;
	v15 =	vsel vm1, v15, v17;
	v12 =	vadd.f32 $1.000000000e+00, v12  }
0xcc: {  	v4 =	vor.u32 v1, v4;
	v5 =	vor.u32 v1, v5;
	v7 =	vor.u32 v1, v7  }
0xcd: {  	v14 =	vshra.s32 v14, $0xF;
	vm1 =	vlt.s32 v15, v11;
	v13 =	vshra.s32 v59, $0xF  }
0xce: {  	v14 =	vadd.s32 v14, v9;
	v11 =	vsel vm1, v15, v11;
	v12 =	vshra.s32 v12, $0xF  }
0xcf: {  	v13 =	vadd.s32 v13, v6;
	v12 =	vadd.s32 v12, v8;
	v14 =	vadd.s32 $0xFFFF9540, v14  }
0xd0: {  	v13 =	vadd.s32 $0xFFFF9540, v13;
	v12 =	vadd.s32 $0xFFFF9540, v12;
	vm1 =	vgt.s32 v14, v4  }
0xd1: {  	vm2 =	vgt.s32 v13, v5;
	v4 =	vsel vm1, v14, v4;
	vm1 =	vgt.s32 v12, v7  }
0xd2: {  	v5 =	vsel vm2, v13, v5;
	v7 =	vsel vm1, v12, v7;
	vm1 =	vlt.s32 v4, v60  }
0xd3: {  	v62 =	vadd.s32 $0x243F, v8;
	vm2 =	vlt.s32 v5, v61;
	v4 =	vsel vm1, v4, v60  }
0xd4: {  	vm1 =	vlt.s32 v7, v62;
	v5 =	vsel vm2, v5, v61  }
0xd5: {  	v63 =	vsel vm1, v7, v62  }
.Ltmp4:
0xd6: {  	[tilespmem:v10+s7+$0x0] =	vst.idx.add.s32.msk $0xffff, v2;
	(pc) =	sbr.rel @p3 .LBB2_12-.Ltmp4, $4  }
0xd7: {  	[tilespmem:v11+s7+$0x0] =	vst.idx.add.s32.msk $0xffff, v2  }
0xd8: {  	[tilespmem:v4+s7+$0x0] =	vst.idx.add.s32.msk $0xffff, v2  }
0xd9: {  	[tilespmem:v5+s7+$0x0] =	vst.idx.add.s32.msk $0xffff, v2  }
0xda: {  	[tilespmem:v63+s7+$0x0] =	vst.idx.add.s32.msk $0xffff, v2  }
0xdb: {  	s10 =	sadd.s32 s20, s26  }
.Ltmp5:
0xdc: {  	s10 =	sshrl.u32 s10, $0x3;
	(pc) =	sbr.rel .LBB2_6-.Ltmp5, $4  }
0xdd: {  	s11 =	sadd.s32 s0, s10  }
0xde: {  	[tilespmem:s2], [sflag:$0x2] =	stream.linear.gather [hbm4b:s11+s19], $0x2000, $0x38;
	[tilespmem:$0x14870] =	vst v63  }
0xdf: {  	s18 =	sadd.s32 $0x1, s18;
	s10 =	sadd.s32 s1, s10  }
0xe0: {  	[tilespmem:s5], [sflag:$0x2] =	stream.linear.gather [hbm4b:s10+s19], $0x2000, $0x38;
	[tilespmem:$0x14870] =	vst v63  }
.LBB2_12:
0xe1: {  	v4 =	vld [tilespmem:$0x8010];
	[spmem:s4] =	stream.linear.scatter [tilespmem:s7], [sflag:$0x2], $0x1210, $0x38  }
0xe2: {  	s10 =	simm.s32 $0x9210  }
0xe3: {  	[spmem:s30] =	stream.linear.scatter [tilespmem:s10], [sflag:$0x2], $0x1210, $0x38;
	[tilespmem:$0x14870] =	vst v63  }
0xe4: {  	s21 =	simm.s32 $0xA420  }
0xe5: {  	[spmem:s31] =	stream.linear.scatter [tilespmem:s21], [sflag:$0x2], $0x1210, $0x38;
	[tilespmem:$0x14870] =	vst v63  }
0xe6: {  	s22 =	simm.s32 $0xB630  }
0xe7: {  	[spmem:s3] =	stream.linear.scatter [tilespmem:s22], [sflag:$0x2], $0x1210, $0x38;
	[tilespmem:$0x14870] =	vst v63  }
0xe8: {  	s23 =	rddreg [dreg:$0x8];
	[tilespmem:$0xFF00] =	vst v4  }
0xe9: {  	[spmem:s23] =	stream.linear.scatter [tilespmem:s9], [sflag:$0x2], $0x10, $0x38;
	[tilespmem:$0x14870] =	vst v63  }
0xea: {  	_ =	swait.ge [sflag:s8], $0x1210  }
0xeb: {  	[sflag:s8] =	ssyncset.done $0x0  }
0xec: {  	[sflag:s8] =	ssyncadd.s32 $0xFFFFEDF0  }
0xed: {  	_ =	swait.ge [sflag:s8], $0x1210  }
0xee: {  	[sflag:s8] =	ssyncset.done $0x0  }
0xef: {  	[sflag:s8] =	ssyncadd.s32 $0xFFFFEDF0  }
0xf0: {  	_ =	swait.ge [sflag:s8], $0x1210  }
0xf1: {  	[sflag:s8] =	ssyncset.done $0x0  }
0xf2: {  	[sflag:s8] =	ssyncadd.s32 $0xFFFFEDF0  }
0xf3: {  	_ =	swait.ge [sflag:s8], $0x1210  }
0xf4: {  	[sflag:s8] =	ssyncset.done $0x0  }
0xf5: {  	[sflag:s8] =	ssyncadd.s32 $0xFFFFEDF0  }
0xf6: {  	_ =	swait.ge [sflag:s8], $0x10  }
0xf7: {  	[sflag:s8] =	ssyncset.done $0x0  }
0xf8: {  	[sflag:s8] =	ssyncadd.s32 $0xFFFFFFF0  }
0xf9: {  	[bflag:$0x0] =	sbarrier.arrive $0xFFFF  }
0xfa: {  	s11 =	rddreg [dreg:$0x9]  }
0xfb: {  	[tilespmem:s13], [sflag:$0x1] =	stream.linear.gather [spmem:s11], $0x900, $0x38;
	[tilespmem:$0x14870] =	vst v63  }
0xfc: {  	s12 =	rddreg [dreg:$0xa]  }
0xfd: {  	[tilespmem:s24], [sflag:$0x1] =	stream.linear.gather [spmem:s12], $0x900, $0x38;
	[tilespmem:$0x14870] =	vst v63  }
0xfe: {  	s17 =	rddreg [dreg:$0xb];
	s11 =	simm.s32 $0xEC80  }
0xff: {  	[tilespmem:s11], [sflag:$0x1] =	stream.linear.gather [spmem:s17], $0x900, $0x38;
	[tilespmem:$0x14870] =	vst v63  }
0x100: {  	s20 =	simm.s32 $0xF580;
	s18 =	rddreg [dreg:$0xc]  }
0x101: {  	[tilespmem:s20], [sflag:$0x1] =	stream.linear.gather [spmem:s18], $0x900, $0x38;
	[tilespmem:$0x14870] =	vst v63  }
0x102: {  	_ =	swait.ge [sflag:s6], $0x900  }
0x103: {  	[sflag:s6] =	ssyncset.done $0x0  }
0x104: {  	[sflag:s6] =	ssyncadd.s32 $0xFFFFF700  }
0x105: {  	_ =	swait.ge [sflag:s6], $0x900  }
0x106: {  	[sflag:s6] =	ssyncset.done $0x0  }
0x107: {  	[sflag:s6] =	ssyncadd.s32 $0xFFFFF700  }
0x108: {  	_ =	swait.ge [sflag:s6], $0x900  }
0x109: {  	[sflag:s6] =	ssyncset.done $0x0  }
0x10a: {  	[sflag:s6] =	ssyncadd.s32 $0xFFFFF700  }
0x10b: {  	_ =	swait.ge [sflag:s6], $0x900  }
0x10c: {  	[sflag:s6] =	ssyncset.done $0x0  }
0x10d: {  	s21 =	simm.s32 $0xF5A0;
	[sflag:s6] =	ssyncadd.s32 $0xFFFFF700  }
0x10e: {  	v4 =	vld [tilespmem:s21+$0x0]  }
0x10f: {  	s22 =	simm.s32 $0xDAA0;
	v14 =	vld [tilespmem:s21+$0xFFFFFFF0]  }
0x110: {  	s12 =	simm.s32 $0xE3A0;
	v15 =	vld [tilespmem:s22+$0x10]  }
0x111: {  	v16 =	vld [tilespmem:s12+$0x10]  }
0x112: {  	s17 =	simm.s32 $0xECA0;
	v17 =	vld [tilespmem:s21+$0xFFFFFFE0]  }
0x113: {  	v18 =	vld [tilespmem:s17+$0xFFFFFFF0]  }
0x114: {  	v19 =	vld [tilespmem:s22+$0x0]  }
0x115: {  	v20 =	vld [tilespmem:s17+$0xFFFFFFE0]  }
0x116: {  	v21 =	vld [tilespmem:s22+$0xFFFFFFF0]  }
0x117: {  	v13 =	vld [tilespmem:s22+$0xFFFFFFE0]  }
0x118: {  	v22 =	vld [tilespmem:s12+$0xFFFFFFE0]  }
0x119: {  	v23 =	vld [tilespmem:s12+$0xFFFFFFF0]  }
0x11a: {  	v24 =	vld [tilespmem:s12+$0x0]  }
0x11b: {  	v25 =	vld [tilespmem:s17+$0x0]  }
0x11c: {  	v26 =	vld [tilespmem:s17+$0x10]  }
0x11d: {  	s23 =	simm.s32 $0xF5E0;
	v27 =	vld [tilespmem:s21+$0x10]  }
0x11e: {  	v5 =	vld [tilespmem:s23+$0x0]  }
0x11f: {  	s10 =	simm.s32 $0xDAE0;
	v7 =	vld [tilespmem:s23+$0xFFFFFFF0]  }
0x120: {  	s11 =	simm.s32 $0xE3E0;
	v6 =	vld [tilespmem:s10+$0x10]  }
0x121: {  	v8 =	vld [tilespmem:s11+$0x10]  }
0x122: {  	v9 =	vld [tilespmem:s23+$0xFFFFFFE0]  }
0x123: {  	v11 =	vld [tilespmem:s10+$0x0]  }
0x124: {  	s17 =	simm.s32 $0xECE0;
	v62 =	vld [tilespmem:s10+$0xFFFFFFE0]  }
0x125: {  	v10 =	vld [tilespmem:s17+$0xFFFFFFF0]  }
0x126: {  	v12 =	vld [tilespmem:s17+$0xFFFFFFE0];
	v22 =	vadd.s32 v13, v22  }
0x127: {  	v13 =	vld [tilespmem:s10+$0xFFFFFFF0];
	v20 =	vadd.s32 v20, v22  }
0x128: {  	v21 =	vadd.s32 v21, v23;
	v15 =	vadd.s32 v15, v16;
	v16 =	vadd.s32 v17, v20;
	v20 =	vld [tilespmem:s11+$0xFFFFFFE0]  }
0x129: {  	v63 =	vimm.s32 $0x0;
	s18 =	simm.s32 $0xC8A0;
	v19 =	vadd.s32 v19, v24;
	v17 =	vadd.s32 v18, v21;
	v18 =	vld [tilespmem:s11+$0xFFFFFFF0]  }
0x12a: {  	v19 =	vadd.s32 v25, v19;
	[tilespmem:s18+$0xFFFFFFE0] =	vst v16;
	v16 =	vadd.s32 v63, v16;
	v14 =	vadd.s32 v14, v17;
	v17 =	vld [tilespmem:s11+$0x0]  }
0x12b: {  	v15 =	vadd.s32 v26, v15;
	v4 =	vadd.s32 v4, v19;
	[tilespmem:s18+$0xFFFFFFF0] =	vst v14;
	v14 =	vadd.s32 v14, v16;
	v16 =	vld [tilespmem:s17+$0x0]  }
0x12c: {  	v15 =	vadd.s32 v27, v15;
	[tilespmem:s18+$0x0] =	vst v4;
	v4 =	vadd.s32 v4, v14;
	v14 =	vld [tilespmem:s17+$0x10]  }
0x12d: {  	s20 =	simm.s32 $0x4;
	s21 =	simm.s32 $0xF620;
	[tilespmem:s18+$0x10] =	vst v15;
	v4 =	vadd.s32 v15, v4;
	v15 =	vld [tilespmem:s23+$0x10];
	v19 =	vadd.s32 v62, v20  }
.LBB2_13:
0x12e: {  	v20 =	vld [tilespmem:s21+$0x0];
	v12 =	vadd.s32 v12, v19;
	v13 =	vadd.s32 v13, v18;
	v18 =	vadd.s32 v6, v8  }
0x12f: {  	s10 =	sadd.s32 $0x40, s10;
	s18 =	sadd.s32 $0x40, s18;
	v19 =	vld [tilespmem:s21+$0xFFFFFFF0];
	v8 =	vadd.s32 v9, v12;
	v9 =	vadd.s32 v10, v13;
	v10 =	vadd.s32 v11, v17  }
0x130: {  	s11 =	sadd.s32 $0x40, s11;
	v6 =	vld [tilespmem:s10+$0x10];
	[tilespmem:s18+$0xFFFFFFE0] =	vst v8;
	v4 =	vadd.s32 v4, v8;
	v7 =	vadd.s32 v7, v9;
	v9 =	vadd.s32 v16, v10  }
0x131: {  	v8 =	vld [tilespmem:s11+$0x10];
	[tilespmem:s18+$0xFFFFFFF0] =	vst v7;
	v4 =	vadd.s32 v7, v4;
	v11 =	vadd.s32 v5, v9;
	v7 =	vadd.s32 v14, v18  }
0x132: {  	s17 =	sadd.s32 $0x40, s17;
	v9 =	vld [tilespmem:s21+$0xFFFFFFE0];
	[tilespmem:s18+$0x0] =	vst v11;
	v4 =	vadd.s32 v11, v4;
	v12 =	vadd.s32 v15, v7  }
0x133: {  	v10 =	vld [tilespmem:s17+$0xFFFFFFF0];
	[tilespmem:s18+$0x10] =	vst v12;
	v4 =	vadd.s32 v12, v4;
	v5 =	vmov v20  }
0x134: {  	v11 =	vld [tilespmem:s10+$0x0];
	v7 =	vmov v19  }
0x135: {  	v12 =	vld [tilespmem:s17+$0xFFFFFFE0]  }
0x136: {  	v13 =	vld [tilespmem:s10+$0xFFFFFFF0]  }
0x137: {  	s20 =	sadd.s32 $0x4, s20;
	v15 =	vld [tilespmem:s10+$0xFFFFFFE0]  }
0x138: {  	p3 =	slt.u32 s20, $0x8C;
	v19 =	vld [tilespmem:s11+$0xFFFFFFE0]  }
.Ltmp6:
0x139: {  	v18 =	vld [tilespmem:s11+$0xFFFFFFF0];
	(pc) =	sbr.rel @p3 .LBB2_13-.Ltmp6, $4  }
0x13a: {  	v17 =	vld [tilespmem:s11+$0x0]  }
0x13b: {  	v16 =	vld [tilespmem:s17+$0x0]  }
0x13c: {  	v14 =	vld [tilespmem:s17+$0x10]  }
0x13d: {  	v19 =	vadd.s32 v15, v19;
	v15 =	vld [tilespmem:s21+$0x10];
	s21 =	sadd.s32 $0x40, s21  }
0x13e: {  	v12 =	vadd.s32 v12, v19;
	v13 =	vadd.s32 v13, v18  }
0x13f: {  	s10 =	sadd.s32 $0x40, s18;
	v12 =	vadd.s32 v9, v12;
	v9 =	vadd.s32 v10, v13;
	v10 =	vadd.s32 v11, v17  }
0x140: {  	v6 =	vadd.s32 v6, v8;
	[tilespmem:s10+$0xFFFFFFE0] =	vst v12;
	v17 =	vadd.s32 v7, v9;
	v7 =	vadd.s32 v16, v10  }
0x141: {  	[tilespmem:s10+$0xFFFFFFF0] =	vst v17;
	v16 =	vadd.s32 v5, v7;
	v5 =	vadd.s32 v14, v6  }
0x142: {  	[tilespmem:s10+$0x0] =	vst v16;
	v20 =	vadd.s32 v15, v5  }
0x143: {  	[tilespmem:s10+$0x10] =	vst v20  }
0x144: {  	s10 =	rddreg [dreg:$0xd]  }
0x145: {  	[tilespmem:s13], [sflag:$0x1] =	stream.linear.gather [spmem:s10], $0x900, $0x38;
	[tilespmem:$0x14870] =	vst v63  }
0x146: {  	s17 =	rddreg [dreg:$0xe]  }
0x147: {  	[tilespmem:s24], [sflag:$0x1] =	stream.linear.gather [spmem:s17], $0x900, $0x38;
	[tilespmem:$0x14870] =	vst v63  }
0x148: {  	s11 =	simm.s32 $0xEC80;
	s18 =	rddreg [dreg:$0xf]  }
0x149: {  	[tilespmem:s11], [sflag:$0x1] =	stream.linear.gather [spmem:s18], $0x900, $0x38;
	[tilespmem:$0x14870] =	vst v63  }
0x14a: {  	s21 =	simm.s32 $0xF580;
	s20 =	rddreg [dreg:$0x10]  }
0x14b: {  	[tilespmem:s21], [sflag:$0x1] =	stream.linear.gather [spmem:s20], $0x900, $0x38;
	[tilespmem:$0x14870] =	vst v63  }
0x14c: {  	_ =	swait.ge [sflag:s6], $0x900  }
0x14d: {  	[sflag:s6] =	ssyncset.done $0x0  }
0x14e: {  	[sflag:s6] =	ssyncadd.s32 $0xFFFFF700  }
0x14f: {  	_ =	swait.ge [sflag:s6], $0x900  }
0x150: {  	[sflag:s6] =	ssyncset.done $0x0  }
0x151: {  	[sflag:s6] =	ssyncadd.s32 $0xFFFFF700  }
0x152: {  	_ =	swait.ge [sflag:s6], $0x900  }
0x153: {  	[sflag:s6] =	ssyncset.done $0x0  }
0x154: {  	[sflag:s6] =	ssyncadd.s32 $0xFFFFF700  }
0x155: {  	_ =	swait.ge [sflag:s6], $0x900  }
0x156: {  	[sflag:s6] =	ssyncset.done $0x0  }
0x157: {  	s22 =	simm.s32 $0xF5A0;
	[sflag:s6] =	ssyncadd.s32 $0xFFFFF700  }
0x158: {  	v15 =	vld [tilespmem:s22+$0x0]  }
0x159: {  	s23 =	simm.s32 $0xDAA0;
	v18 =	vld [tilespmem:s22+$0xFFFFFFF0]  }
0x15a: {  	s12 =	simm.s32 $0xE3A0;
	v19 =	vld [tilespmem:s23+$0x10]  }
0x15b: {  	v21 =	vld [tilespmem:s12+$0x10]  }
0x15c: {  	s17 =	simm.s32 $0xECA0;
	v22 =	vld [tilespmem:s22+$0xFFFFFFE0]  }
0x15d: {  	v23 =	vld [tilespmem:s17+$0xFFFFFFF0]  }
0x15e: {  	v24 =	vld [tilespmem:s23+$0x0]  }
0x15f: {  	v25 =	vld [tilespmem:s17+$0xFFFFFFE0]  }
0x160: {  	v26 =	vld [tilespmem:s23+$0xFFFFFFF0]  }
0x161: {  	v14 =	vld [tilespmem:s23+$0xFFFFFFE0]  }
0x162: {  	v27 =	vld [tilespmem:s12+$0xFFFFFFE0]  }
0x163: {  	v28 =	vld [tilespmem:s12+$0xFFFFFFF0]  }
0x164: {  	v29 =	vld [tilespmem:s12+$0x0]  }
0x165: {  	v30 =	vld [tilespmem:s17+$0x0]  }
0x166: {  	v31 =	vld [tilespmem:s17+$0x10]  }
0x167: {  	s24 =	simm.s32 $0xF5E0;
	v32 =	vld [tilespmem:s22+$0x10]  }
0x168: {  	v5 =	vld [tilespmem:s24+$0x0]  }
0x169: {  	s10 =	simm.s32 $0xDAE0;
	v7 =	vld [tilespmem:s24+$0xFFFFFFF0]  }
0x16a: {  	s11 =	simm.s32 $0xE3E0;
	v6 =	vld [tilespmem:s10+$0x10]  }
0x16b: {  	v8 =	vld [tilespmem:s11+$0x10]  }
0x16c: {  	v9 =	vld [tilespmem:s24+$0xFFFFFFE0]  }
0x16d: {  	v11 =	vld [tilespmem:s10+$0x0]  }
0x16e: {  	s17 =	simm.s32 $0xECE0;
	v63 =	vld [tilespmem:s10+$0xFFFFFFE0]  }
0x16f: {  	v10 =	vld [tilespmem:s17+$0xFFFFFFF0]  }
0x170: {  	v4 =	vadd.s32 v4, v12;
	v13 =	vld [tilespmem:s17+$0xFFFFFFE0];
	v12 =	vadd.s32 v14, v27  }
0x171: {  	v4 =	vadd.s32 v17, v4;
	v14 =	vld [tilespmem:s10+$0xFFFFFFF0];
	v12 =	vadd.s32 v25, v12  }
0x172: {  	v17 =	vadd.s32 v26, v28;
	v21 =	vadd.s32 v19, v21;
	v12 =	vadd.s32 v22, v12;
	v22 =	vld [tilespmem:s11+$0xFFFFFFE0]  }
0x173: {  	s18 =	simm.s32 $0xD1A0;
	v24 =	vadd.s32 v24, v29;
	v19 =	vld [tilespmem:s11+$0xFFFFFFF0];
	v17 =	vadd.s32 v23, v17;
	v23 =	vimm.s32 $0x0  }
0x174: {  	v17 =	vadd.s32 v18, v17;
	v18 =	vld [tilespmem:s11+$0x0];
	[tilespmem:s18+$0xFFFFFFE0] =	vst v12;
	v12 =	vadd.s32 v23, v12;
	v23 =	vadd.s32 v30, v24  }
0x175: {  	v21 =	vadd.s32 v31, v21;
	[tilespmem:s18+$0xFFFFFFF0] =	vst v17;
	v12 =	vadd.s32 v17, v12;
	v15 =	vadd.s32 v15, v23;
	v17 =	vld [tilespmem:s17+$0x0]  }
0x176: {  	v4 =	vadd.s32 v16, v4;
	v16 =	vadd.s32 v32, v21;
	[tilespmem:s18+$0x0] =	vst v15;
	v12 =	vadd.s32 v15, v12;
	v15 =	vld [tilespmem:s17+$0x10]  }
0x177: {  	v4 =	vadd.s32 v20, v4;
	s20 =	simm.s32 $0x4;
	s21 =	simm.s32 $0xF620;
	[tilespmem:s18+$0x10] =	vst v16;
	v12 =	vadd.s32 v16, v12;
	v16 =	vld [tilespmem:s24+$0x10];
	v20 =	vadd.s32 v63, v22  }
.LBB2_15:
0x178: {  	v21 =	vld [tilespmem:s21+$0x0];
	v13 =	vadd.s32 v13, v20;
	v14 =	vadd.s32 v14, v19;
	v19 =	vadd.s32 v6, v8  }
0x179: {  	s10 =	sadd.s32 $0x40, s10;
	s18 =	sadd.s32 $0x40, s18;
	v20 =	vld [tilespmem:s21+$0xFFFFFFF0];
	v8 =	vadd.s32 v9, v13;
	v9 =	vadd.s32 v10, v14;
	v10 =	vadd.s32 v11, v18  }
0x17a: {  	s11 =	sadd.s32 $0x40, s11;
	v6 =	vld [tilespmem:s10+$0x10];
	[tilespmem:s18+$0xFFFFFFE0] =	vst v8;
	v11 =	vadd.s32 v12, v8;
	v7 =	vadd.s32 v7, v9;
	v9 =	vadd.s32 v17, v10  }
0x17b: {  	v8 =	vld [tilespmem:s11+$0x10];
	[tilespmem:s18+$0xFFFFFFF0] =	vst v7;
	v7 =	vadd.s32 v7, v11;
	v14 =	vadd.s32 v5, v9;
	v10 =	vadd.s32 v15, v19  }
0x17c: {  	s17 =	sadd.s32 $0x40, s17;
	v9 =	vld [tilespmem:s21+$0xFFFFFFE0];
	[tilespmem:s18+$0x0] =	vst v14;
	v11 =	vadd.s32 v14, v7;
	v13 =	vadd.s32 v16, v10  }
0x17d: {  	v10 =	vld [tilespmem:s17+$0xFFFFFFF0];
	[tilespmem:s18+$0x10] =	vst v13;
	v12 =	vadd.s32 v13, v11;
	v5 =	vmov v21  }
0x17e: {  	v11 =	vld [tilespmem:s10+$0x0];
	v7 =	vmov v20  }
0x17f: {  	v13 =	vld [tilespmem:s17+$0xFFFFFFE0]  }
0x180: {  	v14 =	vld [tilespmem:s10+$0xFFFFFFF0]  }
0x181: {  	s20 =	sadd.s32 $0x4, s20;
	v16 =	vld [tilespmem:s10+$0xFFFFFFE0]  }
0x182: {  	p3 =	slt.u32 s20, $0x8C;
	v20 =	vld [tilespmem:s11+$0xFFFFFFE0]  }
.Ltmp7:
0x183: {  	v19 =	vld [tilespmem:s11+$0xFFFFFFF0];
	(pc) =	sbr.rel @p3 .LBB2_15-.Ltmp7, $4  }
0x184: {  	v18 =	vld [tilespmem:s11+$0x0]  }
0x185: {  	v17 =	vld [tilespmem:s17+$0x0]  }
0x186: {  	v15 =	vld [tilespmem:s17+$0x10]  }
0x187: {  	v20 =	vadd.s32 v16, v20;
	v16 =	vld [tilespmem:s21+$0x10];
	s21 =	sadd.s32 $0x40, s21  }
0x188: {  	v13 =	vadd.s32 v13, v20;
	v14 =	vadd.s32 v14, v19  }
0x189: {  	s10 =	sadd.s32 $0x40, s18;
	v9 =	vadd.s32 v9, v13;
	v10 =	vadd.s32 v10, v14;
	v11 =	vadd.s32 v11, v18  }
0x18a: {  	v6 =	vadd.s32 v6, v8;
	[tilespmem:s10+$0xFFFFFFE0] =	vst v9;
	v7 =	vadd.s32 v7, v10;
	v8 =	vadd.s32 v17, v11  }
0x18b: {  	[tilespmem:s10+$0xFFFFFFF0] =	vst v7;
	v5 =	vadd.s32 v5, v8;
	v6 =	vadd.s32 v15, v6  }
0x18c: {  	[tilespmem:s10+$0x0] =	vst v5;
	v6 =	vadd.s32 v16, v6  }
0x18d: {  	[tilespmem:s10+$0x10] =	vst v6  }
0x18e: {  	[tilespmem:$0xFF00] =	vst v4;
	s10 =	rddreg [dreg:$0x11]  }
0x18f: {  	v4 =	vadd.s32 v12, v9;
	[spmem:s10] =	stream.linear.scatter [tilespmem:s9], [sflag:$0x3], $0x10, $0x38;
	[tilespmem:$0x14870] =	vst v63  }
0x190: {  	v4 =	vadd.s32 v7, v4;
	_ =	swait.ge [sflag:s14], $0x10  }
0x191: {  	v4 =	vadd.s32 v5, v4;
	[sflag:s14] =	ssyncset.done $0x0  }
0x192: {  	v4 =	vadd.s32 v6, v4;
	[sflag:s14] =	ssyncadd.s32 $0xFFFFFFF0  }
0x193: {  	s18 =	rddreg [dreg:$0x15];
	[tilespmem:$0xFF00] =	vst v4  }
0x194: {  	[spmem:s18] =	stream.linear.scatter [tilespmem:s9], [sflag:$0x3], $0x10, $0x38;
	[tilespmem:$0x14870] =	vst v63  }
0x195: {  	_ =	swait.ge [sflag:s14], $0x10  }
0x196: {  	[sflag:s14] =	ssyncset.done $0x0  }
0x197: {  	[sflag:s14] =	ssyncadd.s32 $0xFFFFFFF0  }
0x198: {  	[bflag:$0x0] =	sbarrier.arrive $0xFFFF  }
0x199: {  	s20 =	rddreg [dreg:$0x12]  }
0x19a: {  	[tilespmem:s15], [sflag:$0x3] =	stream.linear.gather [spmem:s20], $0x40, $0x38;
	[tilespmem:$0x14870] =	vst v63  }
0x19b: {  	_ =	swait.ge [sflag:s14], $0x40  }
0x19c: {  	[sflag:s14] =	ssyncset.done $0x0  }
0x19d: {  	[sflag:s14] =	ssyncadd.s32 $0xFFFFFFC0  }
0x19e: {  	v4 =	vld [tilespmem:$0xFF80]  }
0x19f: {  	v5 =	vld [tilespmem:$0xFF90]  }
0x1a0: {  	v6 =	vld [tilespmem:$0xFFA0]  }
0x1a1: {  	v7 =	vld [tilespmem:$0xFFB0];
	_ =	sdelay $0x2  }
0x1a2: {  	v4 =	vadd.s32 v4, v5  }
0x1a3: {  	v4 =	vadd.s32 v6, v4  }
0x1a4: {  	v4 =	vadd.s32 v7, v4  }
0x1a5: {  	(xrf0) =	vadd.scan.msk.s32 $0xffff, v4;
	_ =	sdelay $0x5  }
0x1a6: {  	v4, _, _ =	vpop (xrf0)  }
0x1a7: {  	(v2sf) =	vpush v4, $0xF;
	_ =	sdelay $0xc  }
0x1a8: {  	s11 =	rddreg [dreg:$0x13]  }
0x1a9: {  	[tilespmem:s15], [sflag:$0x3] =	stream.linear.gather [spmem:s11], $0x40, $0x38;
	[tilespmem:$0x14870] =	vst v63  }
0x1aa: {  	s10 =	spop (v2sf)  }
0x1ab: {  	_ =	swait.ge [sflag:s14], $0x40  }
0x1ac: {  	[sflag:s14] =	ssyncset.done $0x0  }
0x1ad: {  	[sflag:s14] =	ssyncadd.s32 $0xFFFFFFC0  }
0x1ae: {  	v4 =	vld [tilespmem:$0xFF80]  }
0x1af: {  	v5 =	vld [tilespmem:$0xFF90]  }
0x1b0: {  	v6 =	vld [tilespmem:$0xFFA0]  }
0x1b1: {  	v7 =	vld [tilespmem:$0xFFB0];
	_ =	sdelay $0x1  }
0x1b2: {  	(xrf0) =	vadd.scan.msk.s32 $0xffff, v4  }
0x1b3: {  	(xrf0) =	vadd.scan.msk.s32 $0xffff, v5  }
0x1b4: {  	(xrf0) =	vadd.scan.msk.s32 $0xffff, v6  }
0x1b5: {  	(xrf0) =	vadd.scan.msk.s32 $0xffff, v7;
	_ =	sdelay $0x2  }
0x1b6: {  	v4, _, _ =	vpop (xrf0)  }
0x1b7: {  	(v2sf) =	vpush v4, $0xF;
	v4, _, _ =	vpop (xrf0)  }
0x1b8: {  	(v2sf) =	vpush v4, $0xF;
	v4, _, _ =	vpop (xrf0)  }
0x1b9: {  	(v2sf) =	vpush v4, $0xF;
	v4, _, _ =	vpop (xrf0)  }
0x1ba: {  	(v2sf) =	vpush v4, $0xF;
	_ =	sdelay $0x9  }
0x1bb: {  	s13 =	rddreg [dreg:$0x14]  }
0x1bc: {  	[tilespmem:s15], [sflag:$0x3] =	stream.linear.gather [spmem:s13], $0x40, $0x38;
	[tilespmem:$0x14870] =	vst v63  }
0x1bd: {  	s21 =	spop (v2sf)  }
0x1be: {  	s12 =	spop (v2sf)  }
0x1bf: {  	s17 =	spop (v2sf)  }
0x1c0: {  	s18 =	spop (v2sf)  }
0x1c1: {  	_ =	swait.ge [sflag:s14], $0x40  }
0x1c2: {  	[sflag:s14] =	ssyncset.done $0x0  }
0x1c3: {  	[sflag:s14] =	ssyncadd.s32 $0xFFFFFFC0  }
0x1c4: {  	v4 =	vld [tilespmem:$0xFF80]  }
0x1c5: {  	v5 =	vld [tilespmem:$0xFF90]  }
0x1c6: {  	v6 =	vld [tilespmem:$0xFFA0]  }
0x1c7: {  	v7 =	vld [tilespmem:$0xFFB0];
	_ =	sdelay $0x1  }
0x1c8: {  	(xrf0) =	vadd.scan.msk.s32 $0xffff, v4  }
0x1c9: {  	(xrf0) =	vadd.scan.msk.s32 $0xffff, v5  }
0x1ca: {  	(xrf0) =	vadd.scan.msk.s32 $0xffff, v6  }
0x1cb: {  	(xrf0) =	vadd.scan.msk.s32 $0xffff, v7;
	_ =	sdelay $0x2  }
0x1cc: {  	v4, _, _ =	vpop (xrf0)  }
0x1cd: {  	(v2sf) =	vpush v4, $0xF;
	v4, _, _ =	vpop (xrf0)  }
0x1ce: {  	(v2sf) =	vpush v4, $0xF;
	v4, _, _ =	vpop (xrf0)  }
0x1cf: {  	(v2sf) =	vpush v4, $0xF;
	v4, _, _ =	vpop (xrf0)  }
0x1d0: {  	(v2sf) =	vpush v4, $0xF;
	_ =	sdelay $0x2  }
0x1d1: {  	s20 =	simm.s32 $0x0  }
0x1d2: {  	v7 =	vld [tilespmem:s20+$0xC880];
	_ =	sdelay $0x2  }
0x1d3: {  	v8 =	vld [tilespmem:s20+$0xC890]  }
0x1d4: {  	v9 =	vld [tilespmem:s20+$0xD180]  }
0x1d5: {  	s23 =	smov.u32 s21;
	s11 =	sadd.s32 s21, s12;
	(xrf0) =	vadd.scan.msk.s32 $0xffff, v7  }
0x1d6: {  	s23 =	simm.s32 @p2 $0x0;
	s11 =	sadd.s32 s17, s11;
	v10 =	vld [tilespmem:s20+$0xD190]  }
0x1d7: {  	s12 =	simm.s32 @!p1 $0x0;
	s11 =	sadd.s32 s18, s11;
	s18 =	simm.s32 $0x20  }
0x1d8: {  	s12 =	sadd.s32 s23, s12;
	s17 =	simm.s32 @!p0 $0x0;
	v14 =	vld [tilespmem:s18+$0xC880];
	(xrf0) =	vadd.scan.msk.s32 $0xffff, v8;
	s24 =	spop (v2sf)  }
0x1d9: {  	s12 =	sadd.s32 s17, s12;
	v18 =	vld [tilespmem:s18+$0xC890];
	(xrf0) =	vadd.scan.msk.s32 $0xffff, v9;
	s22 =	spop (v2sf);
	s21 =	smov.u32 s24  }
0x1da: {  	vm1 =	vmmov vm0;
	s13 =	spop (v2sf);
	s21 =	simm.s32 @p2 $0x0;
	s24 =	sadd.s32 s24, s22  }
0x1db: {  	v21 =	vimm.f32 $0.0e+00;
	v28 =	vmov s28;
	v4 =	vmov s12;
	v5, _, _ =	vpop (xrf0);
	(xrf0) =	vadd.scan.msk.s32 $0xffff, v10;
	s22 =	simm.s32 @!p1 $0x0;
	s23 =	spop (v2sf);
	s24 =	sadd.s32 s13, s24  }
0x1dc: {  	v22 =	vcvt.s32.f32 v9;
	v26 =	vcvt.s32.f32 v10;
	v12 =	vadd.s32 v4, v5;
	s20 =	sadd.s32 s21, s22;
	s22 =	sadd.s32 s23, s24  }
0x1dd: {  	s11 =	scvt.s32.f32 s11;
	vm4 =	vgt.s32 v8, $0x0;
	v29 =	vcvt.s32.f32 v14;
	v13 =	vperm.xlane v12, v3;
	s13 =	simm.s32 @!p0 $0x0;
	s10 =	sadd.s32 s10, s22  }
0x1de: {  	vm6 =	vgt.s32 v18, $0x0;
	vm2 =	vgt.s32 v7, $0x0;
	v9 =	vcvt.s32.f32 v7;
	v15, _, _ =	vpop (xrf0);
	s13 =	sadd.s32 s13, s20;
	s24 =	scvt.s32.f32 s22;
	s23 =	scvt.s32.f32 s10  }
0x1df: {  	v5 =	vmov s11;
	v13 =	vadd.s32 v13, v15;
	v15, _, _ =	vpop (xrf0);
	s20 =	sadd.s32 $0x10, s28;
	v11 =	vmov s13  }
0x1e0: {  	v12 =	vcvt.s32.f32 v12;
	v16 =	vmov s20;
	v11 =	vadd.s32 v11, v15;
	s13 =	ssub.f32 s23, s24  }
0x1e1: {  	v20, _, _ =	vpop (xrf0);
	(xrf0) =	vadd.scan.msk.s32 $0xffff, v14;
	v15 =	vshll.u32 v16, $0xF;
	v16 =	vcvt.s32.f32 v11;
	v11 =	vperm.xlane v11, v3  }
0x1e2: {  	v12 =	vsub.f32 v5, v12;
	v17 =	vcvt.s32.f32 v13;
	v4 =	vmov s13  }
0x1e3: {  	v13 =	vperm.xlane v13, v3;
	v11 =	vadd.s32 v11, v20;
	v20 =	vld [tilespmem:s18+$0xD180];
	v16 =	vadd.f32 v16, v4  }
0x1e4: {  	vm3 =	veq.f32 v12, $0.0e+00;
	v17 =	vsub.f32 v5, v17;
	v6 =	vmov s23  }
0x1e5: {  	(xrf0) =	vadd.scan.msk.s32 $0xffff, v18;
	v19 =	vadd.f32 v12, v6;
	v23 =	vcvt.s32.f32 v11;
	v16 =	vsub.f32 v16, v22  }
0x1e6: {  	vm2 =	vmand vm2, vm3;
	v18 =	vcvt.s32.f32 v18;
	vm3 =	veq.f32 v17, $0.0e+00;
	v12 =	vld [tilespmem:s18+$0xD190]  }
0x1e7: {  	p3 =	seq.s32 s10, $0x0;
	v7 =	vadd.f32 v9, v19;
	v10 =	vadd.f32 v23, v4;
	v25 =	vmul.f32 v9, v16;
	v9, _, _ =	vpop (xrf0)  }
0x1e8: {  	vm3 =	vmand vm4, vm3;
	vm1 =	vmneg @p3 vm1;
	(xrf0) =	vadd.scan.msk.s32 $0xffff, v20;
	v9 =	vadd.s32 v13, v9  }
0x1e9: {  	v27 =	vsub.f32 v10, v26;
	v10 =	vperm.xlane v11, v3;
	v11 =	vcvt.s32.f32 v9  }
0x1ea: {  	vm4 =	vgt.s32 v14, $0x0;
	vm2 =	vmand vm1, vm2;
	v24 =	vadd.f32 v17, v6  }
0x1eb: {  	vm3 =	vmand vm1, vm3;
	v13, _, _ =	vpop (xrf0);
	(xrf0) =	vadd.scan.msk.s32 $0xffff, v12;
	v9 =	vperm.xlane v9, v3;
	v11 =	vsub.f32 v5, v11  }
0x1ec: {  	vm5 =	vmmov vm2;
	vm3 =	vmmov vm3;
	v17 =	vmax.f32 v24, $1.000000000e+00  }
0x1ed: {  	v16 =	vcvt.s32.f32 v20;
	v9 =	vadd.s32 v9, v13;
	v30 =	vadd.f32 v11, v6  }
0x1ee: {  	v14 =	vmax.f32 v19, $1.000000000e+00;
	v20 =	vcvt.s32.f32 v8;
	v13 =	vcvt.s32.f32 v9;
	v8, _, _ =	vpop (xrf0)  }
0x1ef: {  	s21 =	sadd.s32 $0x20, s28;
	v32 =	vperm.xlane v9, v3;
	v8 =	vadd.s32 v10, v8;
	v9 =	vadd.f32 v29, v30  }
0x1f0: {  	s22 =	sadd.s32 $0x10, s21;
	(erf) = vrcp.f32 v14;
	v23 =	vmax.f32 v7, $1.000000000e+00;
	v10 =	vperm.xlane v8, v3  }
0x1f1: {  	s23 =	simm.s32 $0x40;
	v7 =	vmov s22;
	v19, _, _ =	vpop (xrf0);
	v35 =	vmax.f32 v9, $1.000000000e+00;
	v9 =	vmul.f32 v23, v14  }
0x1f2: {  	v7 =	vshll.u32 v7, $0xF;
	v19 =	vadd.s32 v10, v19;
	v10 =	vadd.f32 v20, v24;
	v23 =	vld [tilespmem:s23+$0xC880]  }
0x1f3: {  	v27 =	vmul.f32 v20, v27;
	vm2 =	veq.f32 v11, $0.0e+00;
	(erf) = vrcp.f32 v9  }
0x1f4: {  	v31 =	vsub.f32 v5, v13;
	v8 =	vcvt.s32.f32 v8;
	v9 =	vmax.f32 v10, $1.000000000e+00  }
0x1f5: {  	s17 =	sadd.s32 $0x20, s21;
	vm2 =	vmand vm4, vm2;
	v11 =	vmul.f32 v9, v17;
	(erf) = vrcp.f32 v17  }
0x1f6: {  	s24 =	sadd.s32 $0x10, s17;
	vm2 =	vmand vm1, vm2;
	v13 =	vadd.f32 v31, v6;
	v8 =	vadd.f32 v8, v4  }
0x1f7: {  	v24 =	vmov s24;
	vm4 =	veq.f32 v31, $0.0e+00;
	v9 =	vld [tilespmem:s23+$0xC890];
	(erf) = vrcp.f32 v11;
	(xrf0) =	vadd.scan.msk.s32 $0xffff, v23  }
0x1f8: {  	v14 =	vcvt.s32.f32 v19;
	vm4 =	vmand vm6, vm4;
	v8 =	vsub.f32 v8, v16  }
0x1f9: {  	v33 =	vld [tilespmem:s23+$0xD180];
	vm4 =	vmand vm1, vm4;
	v20 =	vmax.f32 v13, $1.000000000e+00;
	v10 =	vcvt.s32.f32 v12  }
0x1fa: {  	v12 =	vadd.f32 v14, v4;
	v14 =	vmul.f32 v29, v8;
	v8 =	vmul.u32 $0x8000, v1  }
0x1fb: {  	v29 =	vperm.xlane v19, v3;
	v19 =	vshll.u32 v28, $0xF;
	v11 =	vshll.u32 v24, $0xF;
	v24 =	vpop (erf)  }
0x1fc: {  	v17 =	vmov s21;
	v28 =	vor.u32 v8, v19;
	v15 =	vor.u32 v8, v15;
	(xrf0) =	vadd.scan.msk.s32 $0xffff, v9;
	v31 =	vpop (erf)  }
0x1fd: {  	v19 =	vld [tilespmem:s23+$0xD190];
	v22 =	vmul.f32 v22, v24;
	v28 =	vor.u32 $0x4000, v28;
	v59, _, _ =	vpop (xrf0);
	v25 =	vmul.f32 v31, v25  }
0x1fe: {  	v31 =	vor.u32 $0x4000, v15;
	v15 =	vcvt.s32.f32 v33;
	v32 =	vadd.s32 v32, v59;
	v60 =	vpop (erf)  }
0x1ff: {  	(xrf0) =	vadd.scan.msk.s32 $0xffff, v33;
	v33 =	vmax.f32 v30, $1.000000000e+00;
	v61 =	vmul.f32 v26, v60;
	v22 =	vadd.f32 v25, v22  }
0x200: {  	v24 =	vnsel vm3, $0x0, v31;
	v25 =	vcvt.s32.f32 v32;
	v32 =	vperm.xlane v32, v3;
	v34 =	vpop (erf)  }
0x201: {  	vm3 =	vgt.s32 v23, $0x0;
	v34 =	vmul.f32 v34, v27;
	v22 =	vmul.f32 v28, v22  }
0x202: {  	(xrf0) =	vadd.scan.msk.s32 $0xffff, v19;
	v26 =	vcvt.s32.f32 v23;
	v36, _, _ =	vpop (xrf0);
	v28 =	vnsel vm5, $0x0, v28;
	v25 =	vsub.f32 v5, v25  }
0x203: {  	v27 =	vadd.s32 v32, v36;
	v32 =	vadd.f32 v34, v61;
	v62 =	vadd.f32 v22, v21  }
0x204: {  	v23 =	vcvt.s32.f32 v27;
	v27 =	vperm.xlane v27, v3;
	v21 =	vadd.f32 v25, v6  }
0x205: {  	v37 =	vmul.f32 v31, v32;
	v32 =	vmul.f32 v35, v33;
	v22, _, _ =	vpop (xrf0);
	v63 =	vadd.f32 v62, v28  }
0x206: {  	v29 =	vadd.s32 v29, v22;
	v22 =	vsub.f32 v5, v23;
	v23 =	vadd.f32 v26, v21  }
0x207: {  	v12 =	vsub.f32 v12, v10;
	v28 =	vcvt.s32.f32 v29;
	v31 =	vperm.xlane v29, v3  }
0x208: {  	s10 =	sadd.s32 $0x20, s17;
	s18 =	simm.s32 $0x180;
	v34, _, _ =	vpop (xrf0);
	v30 =	vadd.f32 v37, v63;
	v29 =	vadd.f32 v22, v6;
	v23 =	vmax.f32 v23, $1.000000000e+00  }
.LBB2_17:
0x209: {  	v31 =	vadd.s32 v31, v34;
	v34 =	vadd.f32 v18, v13;
	s11 =	smov.u32 s18  }
0x20a: {  	s12 =	sshra.s32 s18, $0x2;
	s13 =	sadd.s32 $0x10, s10;
	(erf) = vrcp.f32 v33;
	v13 =	vmovc v29;
	vm5 =	vmmov vm2;
	vm6 =	vmmov vm4;
	s11 =	sadd.s32 $0x80, s18  }
0x20b: {  	p3 =	sne.s32 s18, $0x2380;
	v28 =	vadd.f32 v28, v4;
	v33 =	vmov s13;
	v29 =	vld [tilespmem:s12+$0xC880];
	(erf) = vrcp.f32 v32  }
0x20c: {  	v30 =	vadd.f32 v30, v24;
	v32 =	vcvt.s32.f32 v31;
	v34 =	vmax.f32 v34, $1.000000000e+00  }
0x20d: {  	vm2 =	veq.f32 v25, $0.0e+00;
	v24 =	vsub.f32 v28, v15;
	v25 =	vmul.f32 v34, v20  }
0x20e: {  	v34 =	vcvt.s32.f32 v19;
	v19 =	vadd.f32 v32, v4;
	v28 =	vld [tilespmem:s12+$0xC890];
	(erf) = vrcp.f32 v20  }
0x20f: {  	vm2 =	vmand vm3, vm2;
	v24 =	vmul.f32 v26, v24;
	v32 =	vld [tilespmem:s12+$0xD180];
	(erf) = vrcp.f32 v25  }
0x210: {  	vm2 =	vmand vm1, vm2;
	v31 =	vperm.xlane v31, v3;
	v19 =	vsub.f32 v19, v34;
	(xrf0) =	vadd.scan.msk.s32 $0xffff, v29  }
0x211: {  	vm4 =	vgt.s32 v9, $0x0;
	vm3 =	veq.f32 v22, $0.0e+00;
	v33 =	vshll.u32 v33, $0xF  }
0x212: {  	v22 =	vmul.f32 v18, v12;
	vm3 =	vmand vm4, vm3;
	v12 =	vmov v19  }
0x213: {  	vm4 =	vmand vm1, vm3;
	v19 =	vshll.u32 v17, $0xF;
	v17 =	vmov s17;
	s17 =	smov.u32 s10;
	(xrf0) =	vadd.scan.msk.s32 $0xffff, v28;
	v25 =	vpop (erf)  }
0x214: {  	v36 =	vor.u32 v8, v7;
	v20 =	vmax.f32 v13, $1.000000000e+00;
	v26 =	vor.u32 v8, v19;
	(xrf0) =	vadd.scan.msk.s32 $0xffff, v32;
	v18 =	vpop (erf)  }
0x215: {  	v7 =	vmovc v11;
	v35 =	vor.u32 $0x4000, v36;
	v16 =	vmul.f32 v16, v25;
	v19 =	vld [tilespmem:s12+$0xD190];
	v25 =	vmul.f32 v18, v14;
	v14 =	vmovc v24  }
0x216: {  	v32 =	vcvt.s32.f32 v32;
	v18 =	vcvt.s32.f32 v9;
	v24 =	vnsel vm6, $0x0, v35;
	v11, _, _ =	vpop (xrf0)  }
0x217: {  	v9 =	vadd.s32 v27, v11;
	v11 =	vor.u32 $0x4000, v26;
	v16 =	vadd.f32 v25, v16;
	v26 =	vpop (erf)  }
0x218: {  	vm3 =	vgt.s32 v29, $0x0;
	v25 =	vcvt.s32.f32 v9;
	v39 =	vperm.xlane v9, v3;
	v27 =	vpop (erf)  }
0x219: {  	v37 =	vnsel vm5, $0x0, v11;
	v36, _, _ =	vpop (xrf0);
	v16 =	vmul.f32 v11, v16;
	v40 =	vmul.f32 v27, v22  }
0x21a: {  	v38 =	vmul.f32 v10, v26;
	v25 =	vsub.f32 v5, v25;
	v22 =	vadd.s32 v39, v36;
	v36, _, _ =	vpop (xrf0);
	(xrf0) =	vadd.scan.msk.s32 $0xffff, v19  }
0x21b: {  	v26 =	vcvt.s32.f32 v29;
	v10 =	vmovc v34;
	v9 =	vmovc v28;
	v29 =	vcvt.s32.f32 v22;
	v39 =	vadd.f32 v16, v30  }
.Ltmp8:
0x21c: {  	v11 =	vmovc v33;
	v27 =	vperm.xlane v22, v3;
	v34 =	vadd.f32 v40, v38;
	v30 =	vadd.f32 v25, v6;
	(pc) =	sbr.rel @p3 .LBB2_17-.Ltmp8, $4  }
0x21d: {  	v31 =	vadd.s32 v31, v36;
	v22 =	vsub.f32 v5, v29;
	v36 =	vadd.f32 v39, v37;
	v16 =	vmovc v15  }
0x21e: {  	v28 =	vcvt.s32.f32 v31;
	v35 =	vmul.f32 v35, v34;
	v15 =	vmovc v32;
	v37 =	vadd.f32 v26, v30  }
0x21f: {  	v33 =	vmax.f32 v21, $1.000000000e+00;
	v31 =	vperm.xlane v31, v3;
	v21 =	vmovc v30;
	v29 =	vadd.f32 v22, v6  }
0x220: {  	s18 =	smov.u32 s11;
	s10 =	sadd.s32 $0x20, s10;
	v32 =	vmul.f32 v23, v33;
	v30 =	vadd.f32 v35, v36;
	v34, _, _ =	vpop (xrf0);
	v23 =	vmax.f32 v37, $1.000000000e+00  }
0x221: {  	(erf) = vrcp.f32 v33;
	v5 =	vadd.f32 v18, v13  }
0x222: {  	(erf) = vrcp.f32 v32  }
0x223: {  	v5 =	vmax.f32 v5, $1.000000000e+00  }
0x224: {  	v5 =	vmul.f32 v5, v20  }
0x225: {  	(erf) = vrcp.f32 v20  }
0x226: {  	v6 =	vadd.s32 v31, v34;
	(erf) = vrcp.f32 v5  }
0x227: {  	vm5 =	vmmov vm2;
	v41 =	vcvt.s32.f32 v9;
	v5 =	vmax.f32 v21, $1.000000000e+00  }
0x228: {  	vm2 =	vmmov vm4;
	v43 =	vadd.f32 v28, v4;
	v42 =	vmul.f32 v23, v5  }
0x229: {  	v19 =	vcvt.s32.f32 v19;
	v45 =	vadd.f32 v41, v29;
	(erf) = vrcp.f32 v5  }
0x22a: {  	v47 =	vmax.f32 v29, $1.000000000e+00;
	v12 =	vmul.f32 v18, v12;
	v44 =	vpop (erf);
	(erf) = vrcp.f32 v42  }
0x22b: {  	v48 =	vmax.f32 v45, $1.000000000e+00;
	v5 =	vcvt.s32.f32 v6;
	v27 =	vpop (erf);
	v6 =	vmul.f32 v16, v44  }
0x22c: {  	v17 =	vshll.u32 v17, $0xF;
	v16 =	vmul.f32 v48, v47;
	v14 =	vmul.f32 v27, v14  }
0x22d: {  	vm14 =	veq.f32 v25, $0.0e+00;
	v7 =	vor.u32 v8, v7;
	(erf) = vrcp.f32 v47  }
0x22e: {  	v17 =	vor.u32 v8, v17;
	v50 =	vpop (erf);
	(erf) = vrcp.f32 v16;
	v6 =	vadd.f32 v14, v6  }
0x22f: {  	v46 =	vadd.f32 v30, v24;
	v49 =	vor.u32 $0x4000, v17;
	v10 =	vmul.f32 v10, v50;
	v51 =	vpop (erf)  }
0x230: {  	v21 =	vsub.f32 v43, v15;
	v6 =	vmul.f32 v49, v6;
	v12 =	vmul.f32 v51, v12  }
0x231: {  	v52 =	vmov s17;
	v7 =	vor.u32 $0x4000, v7;
	v4 =	vadd.f32 v5, v4  }
0x232: {  	v5 =	vmul.f32 v26, v21;
	v53 =	vpop (erf);
	v6 =	vadd.f32 v6, v46;
	v10 =	vadd.f32 v12, v10  }
0x233: {  	v4 =	vsub.f32 v4, v19;
	v14 =	vnsel vm5, $0x0, v49;
	v55 =	vmul.f32 v15, v53;
	v54 =	vpop (erf)  }
0x234: {  	v5 =	vmul.f32 v54, v5;
	v6 =	vadd.f32 v6, v14;
	v10 =	vmul.f32 v7, v10  }
0x235: {  	v56 =	vshll.u32 v52, $0xF;
	vm3 =	vmand vm3, vm14;
	v4 =	vmul.f32 v41, v4  }
0x236: {  	v12 =	vor.u32 v8, v56;
	v58 =	vpop (erf);
	v5 =	vadd.f32 v5, v55;
	v6 =	vadd.f32 v10, v6  }
0x237: {  	v57 =	vor.u32 $0x4000, v12;
	v7 =	vnsel vm2, $0x0, v7;
	v60 =	vmul.f32 v19, v58;
	v59 =	vpop (erf)  }
0x238: {  	v4 =	vmul.f32 v59, v4;
	v5 =	vmul.f32 v57, v5;
	v6 =	vadd.f32 v6, v7  }
0x239: {  	v61 =	vor.u32 v8, v11;
	vm15 =	vgt.s32 v9, $0x0;
	vm3 =	vmand vm1, vm3  }
0x23a: {  	vm3 =	vmmov vm3;
	v4 =	vadd.f32 v4, v60;
	v5 =	vadd.f32 v5, v6  }
0x23b: {  	v62 =	vor.u32 $0x4000, v61;
	vm2 =	veq.f32 v22, $0.0e+00;
	v63 =	vnsel vm3, $0x0, v57  }
0x23c: {  	vm2 =	vmand vm15, vm2;
	v4 =	vmul.f32 v62, v4;
	v5 =	vadd.f32 v5, v63  }
0x23d: {  	vm1 =	vmand vm1, vm2  }
0x23e: {  	vm1 =	vmmov vm1;
	v4 =	vadd.f32 v4, v5  }
0x23f: {  	v5 =	vnsel vm1, $0x0, v62  }
0x240: {  	v4 =	vadd.f32 v4, v5;
	_ =	sdelay $0x1  }
0x241: {  	(xrf2) =	vadd.scan.msk.f32 $0xffff, v4;
	_ =	sdelay $0x9  }
0x242: {  	v4, _, _ =	vpop (xrf2)  }
0x243: {  	v4 =	vbroadcast v4, $0xF  }
0x244: {  	s16 =	sadd.s32 $0x1, s16;
	vm1 =	vmmov $0x1  }
0x245: {  	p3 =	sne.s32 s16, s29;
	v4 =	vnsel vm1, $0x0, v4  }
.Ltmp9:
0x246: {  	s10 =	rddreg [dreg:$0x16];
	s11 =	simm.s32 $0xFE80;
	[tilespmem:$0xFE80] =	vst v4;
	(pc) =	sbr.rel @p3 .LBB2_1-.Ltmp9, $4  }
0x247: {  	[hbm4b:s10+s19] =	stream.linear.scatter [tilespmem:s11], [sflag:$0x3], $0x80, $0x38;
	[tilespmem:$0x14870] =	vst v63  }
0x248: {  	_ =	swait.ge [sflag:s14], $0x80  }
0x249: {  	[sflag:s14] =	ssyncset.done $0x0  }
0x24a: {  	s13 =	simm.s32 $0xDA80;
	s24 =	simm.s32 $0xE380;
	[sflag:s14] =	ssyncadd.s32 $0xFFFFFF80  }
0x24b: {  	_ =	sfence.sel $0x180000  }
0x24c: {  	[bflag:$0x0] =	sbarrier.arrive $0xFFFF  }
0x24d: {  	_ =	strace $0x90000047  }
0x24e: {  	s0 =	stileid.u32;
	[bflag:$0x2] =	sbarrier.arrive $0xFFFF  }
0x24f: {  	p0 =	sne.s32 s0, $0x0;
	s0 =	rddreg [dreg:$0x7]  }
0x250: {  	s0 =	sadd.s32 @!p0 $0x100000, s0  }
0x251: {  	[sflag:s0] =	ssyncadd.tile.s32 @!p0 $0x1;
	_ =	shalt  }
.Lfunc_end2:
_tile_overlayer_lowered:
.L_overlay_start_2:
0x252: {  	(tag) =	ssettag $0x2  }
0x253: {  	s0 =	rddreg [dreg:$0x0];
	s2 =	stileid.u32  }
0x254: {  	s1 =	rddreg [dreg:$0x1];
	p0 =	sne.s32 s2, $0x0  }
0x255: {  	s3 =	rddreg [dreg:$0x2];
	[bflag:$0x3] =	sbarrier.arrive $0xFFFF;
	s2 =	simm.s32 @!p0 $0x1C03  }
0x256: {  	[timem:s3], [sflag:s2] =	dma.local @!p0 [hbm:s0], s1  }
0x257: {  	s0 =	simm.s32 @!p0 $0x3  }
0x258: {  	_ =	swait.ge @!p0 [sflag:s0], s1  }
0x259: {  	s1 =	ssub.s32 @!p0 $0x0, s1;
	[sflag:s0] =	ssyncset.done @!p0 $0x0  }
0x25a: {  	[sflag:s0] =	ssyncadd.s32 @!p0 s1  }
0x25b: {  	[bflag:$0x3] =	sbarrier.arrive $0xFFFF  }
0x25c: {  	_ =	shalt  }

</sc_bundles>
